<compile_context>
chip_gen: v7x
topology: tpu7x:2x2x1
jax: 0.10.2.dev20260603
libtpu: 0.0.44.dev20260713+nightly
codegen_flags: <defaults>
</compile_context>

<pallas_src>
import functools

import jax
import jax.numpy as jnp
from jax import lax
from jax.experimental import pallas as pl
from jax.experimental.pallas import tpu as pltpu
from jax.experimental.pallas import tpu_sc as plsc

T = 100
TP = 104
D = 768
B = 1024
NP = B * TP
NC = 2
NS = 16
NW = NC * NS
FROWS_W = B * T // NW
CHUNK = 32
NCHUNK = FROWS_W // CHUNK
NBUF = 4


def _combine_body(table_ref, mask_ref, out_ref):
    out_ref[...] = table_ref[...] * mask_ref[:, 0, :][:, None, :]


def _gather_body(idx_hbm, comb_hbm, out_hbm, idx_v, cidx_v, *bufs_and_sems):
    bufs = bufs_and_sems[:NBUF]
    sgs = bufs_and_sems[NBUF:2 * NBUF]
    sss = bufs_and_sems[2 * NBUF:3 * NBUF]

    wid = lax.axis_index("s") * NC + lax.axis_index("c")
    fbase = wid * FROWS_W

    pltpu.sync_copy(idx_hbm.at[pl.ds(fbase, FROWS_W)], idx_v)

    iota = lax.iota(jnp.int32, 16)

    def fold(k, carry):
        p = fbase + k * 16 + iota
        sl = pl.ds(k * 16, 16)
        cidx_v[sl] = idx_v[sl] + lax.shift_right_logical(p, 10) * TP
        return carry

    lax.fori_loop(0, FROWS_W // 16, fold, 0)

    def gather(c, k):
        return pltpu.make_async_copy(
            comb_hbm.at[cidx_v.at[pl.ds(c * CHUNK, CHUNK)]], bufs[k], sgs[k]
        )

    def scatter(c, k):
        r0 = fbase + c * CHUNK
        t = lax.shift_right_logical(r0, 10)
        b0 = lax.rem(r0, B)
        return pltpu.make_async_copy(
            bufs[k], out_hbm.at[t, pl.ds(b0, CHUNK)], sss[k]
        )

    for k in range(NBUF):
        gather(k, k).start()

    def ring_body(g, carry):
        for k in range(NBUF):
            c = g * NBUF + k
            gather(c, k).wait()
            scatter(c, k).start()

            @pl.when(c + NBUF < NCHUNK)
            def _():
                scatter(c, k).wait()
                gather(c + NBUF, k).start()

        return carry

    lax.fori_loop(0, NCHUNK // NBUF, ring_body, 0)
    for k in range(NBUF):
        scatter(NCHUNK - NBUF + k, k).wait()


@jax.jit
def kernel(indices, embedding_weight, piece_mask):
    table_pad = jnp.pad(embedding_weight, ((0, TP - T), (0, 0)))
    mask3 = piece_mask[:, None, :]
    comb3 = pl.pallas_call(
        _combine_body,
        grid=(T // 4,),
        in_specs=[
            pl.BlockSpec((TP, D), lambda t: (0, 0)),
            pl.BlockSpec((4, 1, D), lambda t: (t, 0, 0)),
        ],
        out_specs=pl.BlockSpec((4, TP, D), lambda t: (t, 0, 0)),
        out_shape=jax.ShapeDtypeStruct((T, TP, D), jnp.float32),
    )(table_pad, mask3)
    comb = comb3.reshape(T * TP, D)

    idx_tf = indices.T.reshape(B * T)

    mesh = plsc.VectorSubcoreMesh(core_axis_name="c", subcore_axis_name="s")
    run = functools.partial(
        pl.kernel,
        mesh=mesh,
        out_type=jax.ShapeDtypeStruct((T, B, D), jnp.float32),
        scratch_types=(
            [pltpu.VMEM((FROWS_W,), jnp.int32),
             pltpu.VMEM((FROWS_W,), jnp.int32)]
            + [pltpu.VMEM((CHUNK, D), jnp.float32) for _ in range(NBUF)]
            + [pltpu.SemaphoreType.DMA for _ in range(2 * NBUF)]
        ),
    )(_gather_body)
    return run(idx_tf, comb).transpose(1, 0, 2)

# --- scband reference (transcript-rebuilt; emitter-appended) ---
"""Pipeline reference for scband-xprompt-embedding-28604482191385 (READ-ONLY COPY).

The authoritative reference and input builder live on the scoring server;
editing this copy changes nothing except your own understanding.
"""

import jax, jax.numpy as jnp
import numpy as np

TOTAL_VIRTUAL_TOKENS = 100  # num_virtual_tokens * num_transformer_submodules
TOKEN_DIM = 768
BATCH = 1024


def setup_inputs(seed: int = 0) -> dict:
    key = jax.random.key(seed)
    k_idx, k_emb = jax.random.split(key)
    indices = jax.random.randint(k_idx, (BATCH, TOTAL_VIRTUAL_TOKENS), 0, TOTAL_VIRTUAL_TOKENS, dtype=jnp.int32)
    # learned prompt embedding table (torch.nn.Embedding init ~ N(0,1))
    embedding_weight = jax.random.normal(k_emb, (TOTAL_VIRTUAL_TOKENS, TOKEN_DIM), dtype=jnp.float32)
    # piece_mask initialized to all ones (no pieces pruned yet)
    piece_mask = jnp.ones((TOTAL_VIRTUAL_TOKENS, TOKEN_DIM), dtype=jnp.float32)
    return {"indices": indices, "embedding_weight": embedding_weight, "piece_mask": piece_mask}


def reference(indices, embedding_weight, piece_mask):
    # forward: prompt_embeddings = self.embedding(indices) * self.piece_mask
    # embedding lookup -> gather rows of the table
    prompt_embeddings = jnp.take(embedding_weight, indices, axis=0)  # [B, T, D]
    # piece_mask [T, D] broadcasts against [B, T, D]
    prompt_embeddings = prompt_embeddings * piece_mask
    return prompt_embeddings

if __name__ == "__main__":
    import jax
    _d = setup_inputs()
    print(jax.jit(kernel)(*tuple(_d.values())))

</pallas_src>

<mosaic_0001>
#map = affine_map<(d0, d1) -> (0)>
#map1 = affine_map<(d0, d1) -> (0, 0)>
#map2 = affine_map<(d0, d1) -> (0, 0, 0)>
module attributes {stable_mosaic.version = 14 : i64} {
  func.func @_gather_body(%arg0: i32, %arg1: i32, %arg2: memref<102400xi32, #tpu.memory_space<hbm>>, %arg3: memref<10400x768xf32, #tpu.memory_space<hbm>>, %arg4: memref<100x1024x768xf32, #tpu.memory_space<hbm>>, %arg5: memref<3200xi32, #tpu.memory_space<vmem>>, %arg6: memref<3200xi32, #tpu.memory_space<vmem>>, %arg7: memref<32x768xf32, #tpu.memory_space<vmem>>, %arg8: memref<32x768xf32, #tpu.memory_space<vmem>>, %arg9: memref<32x768xf32, #tpu.memory_space<vmem>>, %arg10: memref<32x768xf32, #tpu.memory_space<vmem>>, %arg11: memref<!tpu.dma_semaphore, #tpu.memory_space<semaphore_mem>>, %arg12: memref<!tpu.dma_semaphore, #tpu.memory_space<semaphore_mem>>, %arg13: memref<!tpu.dma_semaphore, #tpu.memory_space<semaphore_mem>>, %arg14: memref<!tpu.dma_semaphore, #tpu.memory_space<semaphore_mem>>, %arg15: memref<!tpu.dma_semaphore, #tpu.memory_space<semaphore_mem>>, %arg16: memref<!tpu.dma_semaphore, #tpu.memory_space<semaphore_mem>>, %arg17: memref<!tpu.dma_semaphore, #tpu.memory_space<semaphore_mem>>, %arg18: memref<!tpu.dma_semaphore, #tpu.memory_space<semaphore_mem>>) attributes {dimension_semantics = [#tpu.dimension_semantics<core_parallel>, #tpu.dimension_semantics<subcore_parallel>], iteration_bounds = array<i64: 2, 16>, scalar_prefetch = 0 : i64, scratch_operands = 14 : i64, tpu.core_type = #tpu.core_type<sc_vector_subcore>, window_params = [{transform_indices = #map}, {transform_indices = #map1}, {transform_indices = #map2}]} {
    %mul3A = arith.constant 2 : i32
    %mul3A_0 = arith.muli %arg1, %mul3A : i32
    %add3A = arith.addi %mul3A_0, %arg0 : i32
    %mul3A_1 = arith.constant 3200 : i32
    %mul3A_2 = arith.muli %add3A, %mul3A_1 : i32
    "tpu.region"() ({
      %run_scoped3A = tpu.sem_alloc : memref<!tpu.dma_semaphore, #tpu.memory_space<semaphore_mem>>
      %dma_start3A_78 = tpu.memref_slice %arg2[%mul3A_2] : memref<102400xi32, #tpu.memory_space<hbm>> -> memref<3200xi32, #tpu.memory_space<hbm>>
      %dma_start3A_79 = tpu.memref_slice %arg2[%mul3A_2] : memref<102400xi32, #tpu.memory_space<hbm>> -> memref<3200xi32, #tpu.memory_space<hbm>>
      tpu.enqueue_dma source(%dma_start3A_79 : memref<3200xi32, #tpu.memory_space<hbm>>) target(%arg5 : memref<3200xi32, #tpu.memory_space<vmem>>) target_semaphore(%run_scoped3A : memref<!tpu.dma_semaphore, #tpu.memory_space<semaphore_mem>>)
      %dma_wait3A_80 = tpu.memref_slice %arg2[%mul3A_2] : memref<102400xi32, #tpu.memory_space<hbm>> -> memref<3200xi32, #tpu.memory_space<hbm>>
      %dma_wait3A_81 = tpu.memref_slice %arg2[%mul3A_2] : memref<102400xi32, #tpu.memory_space<hbm>> -> memref<3200xi32, #tpu.memory_space<hbm>>
      tpu.wait_dma2 semaphore(%run_scoped3A : memref<!tpu.dma_semaphore, #tpu.memory_space<semaphore_mem>>) src(%dma_wait3A_81 : memref<3200xi32, #tpu.memory_space<hbm>>) dst(%arg5 : memref<3200xi32, #tpu.memory_space<vmem>>)
      tpu.yield
    }) : () -> ()
    %iota3A = tpu.iota {dimensions = array<i32: 0>} : vector<16xi32>
    %scan3A = arith.constant 0 : i32
    %scan3A_3 = arith.constant 0 : i32
    %scan3A_4 = arith.constant 200 : i32
    %scan3A_5 = arith.addi %scan3A_3, %scan3A_4 : i32
    %scan3A_6 = arith.constant 1 : i32
    scf.for %scan3A_78 = %scan3A_3 to %scan3A_5 step %scan3A_6  : i32 {
      %mul3A_79 = arith.constant 16 : i32
      %mul3A_80 = arith.muli %scan3A_78, %mul3A_79 : i32
      %add3A_81 = arith.addi %mul3A_2, %mul3A_80 : i32
      %add3A_82 = vector.broadcast %add3A_81 : i32 to vector<16xi32>
      %add3A_83 = arith.addi %add3A_82, %iota3A : vector<16xi32>
      %mul3A_84 = arith.constant 16 : i32
      %mul3A_85 = arith.muli %scan3A_78, %mul3A_84 : i32
      %get3A = arith.index_cast %mul3A_85 : i32 to index
      %get3A_86 = tpu.vector_load %arg5[%get3A] {strides = array<i32>} : memref<3200xi32, #tpu.memory_space<vmem>>, vector<16xi32>,
      %get3A_87 = vector.shape_cast %get3A_86 : vector<16xi32> to vector<16xi32>
      %shift_right_logical3A_88 = arith.constant 10 : i32
      %shift_right_logical3A_89 = vector.broadcast %shift_right_logical3A_88 : i32 to vector<16xi32>
      %shift_right_logical3A_90 = arith.shrui %add3A_83, %shift_right_logical3A_89 : vector<16xi32>
      %mul3A_91 = arith.constant 104 : i32
      %mul3A_92 = vector.broadcast %mul3A_91 : i32 to vector<16xi32>
      %mul3A_93 = arith.muli %shift_right_logical3A_90, %mul3A_92 : vector<16xi32>
      %add3A_94 = arith.addi %get3A_87, %mul3A_93 : vector<16xi32>
      %swap3A = arith.index_cast %mul3A_85 : i32 to index
      %swap3A_95 = tpu.vector_load %arg6[%swap3A] {strides = array<i32>} : memref<3200xi32, #tpu.memory_space<vmem>>, vector<16xi32>,
      %swap3A_96 = vector.shape_cast %swap3A_95 : vector<16xi32> to vector<16xi32>
      %swap3A_97 = vector.shape_cast %add3A_94 : vector<16xi32> to vector<16xi32>
      tpu.vector_store %arg6[%swap3A], %swap3A_97 {strides = array<i32>} : memref<3200xi32, #tpu.memory_space<vmem>>, vector<16xi32>,
    }
    %scan3A_7 = arith.constant 200 : i32
    %dma_start3A = arith.constant 0 : i32
    %dma_start3A_8 = tpu.memref_slice %arg6[%dma_start3A] : memref<3200xi32, #tpu.memory_space<vmem>> -> memref<32xi32, #tpu.memory_space<vmem>>
    %dma_start3A_9 = arith.constant 0 : i32
    %dma_start3A_10 = arith.constant 0 : i32
    %dma_start3A_11 = tpu.memref_slice %arg3[%dma_start3A_9, %dma_start3A_10] : memref<10400x768xf32, #tpu.memory_space<hbm>> -> memref<10400x768xf32, #tpu.memory_space<hbm>>
    tpu.enqueue_indirect_dma source(%dma_start3A_11 : memref<10400x768xf32, #tpu.memory_space<hbm>>) target(%arg7 : memref<32x768xf32, #tpu.memory_space<vmem>>) offsets(%dma_start3A_8 : memref<32xi32, #tpu.memory_space<vmem>>) semaphore(%arg11 : memref<!tpu.dma_semaphore, #tpu.memory_space<semaphore_mem>>)
    %dma_start3A_12 = arith.constant 32 : i32
    %dma_start3A_13 = tpu.memref_slice %arg6[%dma_start3A_12] : memref<3200xi32, #tpu.memory_space<vmem>> -> memref<32xi32, #tpu.memory_space<vmem>>
    %dma_start3A_14 = arith.constant 0 : i32
    %dma_start3A_15 = arith.constant 0 : i32
    %dma_start3A_16 = tpu.memref_slice %arg3[%dma_start3A_14, %dma_start3A_15] : memref<10400x768xf32, #tpu.memory_space<hbm>> -> memref<10400x768xf32, #tpu.memory_space<hbm>>
    tpu.enqueue_indirect_dma source(%dma_start3A_16 : memref<10400x768xf32, #tpu.memory_space<hbm>>) target(%arg8 : memref<32x768xf32, #tpu.memory_space<vmem>>) offsets(%dma_start3A_13 : memref<32xi32, #tpu.memory_space<vmem>>) semaphore(%arg12 : memref<!tpu.dma_semaphore, #tpu.memory_space<semaphore_mem>>)
    %dma_start3A_17 = arith.constant 64 : i32
    %dma_start3A_18 = tpu.memref_slice %arg6[%dma_start3A_17] : memref<3200xi32, #tpu.memory_space<vmem>> -> memref<32xi32, #tpu.memory_space<vmem>>
    %dma_start3A_19 = arith.constant 0 : i32
    %dma_start3A_20 = arith.constant 0 : i32
    %dma_start3A_21 = tpu.memref_slice %arg3[%dma_start3A_19, %dma_start3A_20] : memref<10400x768xf32, #tpu.memory_space<hbm>> -> memref<10400x768xf32, #tpu.memory_space<hbm>>
    tpu.enqueue_indirect_dma source(%dma_start3A_21 : memref<10400x768xf32, #tpu.memory_space<hbm>>) target(%arg9 : memref<32x768xf32, #tpu.memory_space<vmem>>) offsets(%dma_start3A_18 : memref<32xi32, #tpu.memory_space<vmem>>) semaphore(%arg13 : memref<!tpu.dma_semaphore, #tpu.memory_space<semaphore_mem>>)
    %dma_start3A_22 = arith.constant 96 : i32
    %dma_start3A_23 = tpu.memref_slice %arg6[%dma_start3A_22] : memref<3200xi32, #tpu.memory_space<vmem>> -> memref<32xi32, #tpu.memory_space<vmem>>
    %dma_start3A_24 = arith.constant 0 : i32
    %dma_start3A_25 = arith.constant 0 : i32
    %dma_start3A_26 = tpu.memref_slice %arg3[%dma_start3A_24, %dma_start3A_25] : memref<10400x768xf32, #tpu.memory_space<hbm>> -> memref<10400x768xf32, #tpu.memory_space<hbm>>
    tpu.enqueue_indirect_dma source(%dma_start3A_26 : memref<10400x768xf32, #tpu.memory_space<hbm>>) target(%arg10 : memref<32x768xf32, #tpu.memory_space<vmem>>) offsets(%dma_start3A_23 : memref<32xi32, #tpu.memory_space<vmem>>) semaphore(%arg14 : memref<!tpu.dma_semaphore, #tpu.memory_space<semaphore_mem>>)
    %scan3A_27 = arith.constant 0 : i32
    %scan3A_28 = arith.constant 0 : i32
    %scan3A_29 = arith.constant 25 : i32
    %scan3A_30 = arith.addi %scan3A_28, %scan3A_29 : i32
    %scan3A_31 = arith.constant 1 : i32
    scf.for %scan3A_78 = %scan3A_28 to %scan3A_30 step %scan3A_31  : i32 {
      %mul3A_79 = arith.constant 4 : i32
      %mul3A_80 = arith.muli %scan3A_78, %mul3A_79 : i32
      %add3A_81 = arith.constant 0 : i32
      %add3A_82 = arith.addi %mul3A_80, %add3A_81 : i32
      %mul3A_83 = arith.constant 32 : i32
      %mul3A_84 = arith.muli %add3A_82, %mul3A_83 : i32
      %dma_wait3A_85 = tpu.memref_slice %arg6[%mul3A_84] : memref<3200xi32, #tpu.memory_space<vmem>> -> memref<32xi32, #tpu.memory_space<vmem>>
      %dma_wait3A_86 = arith.constant 0 : i32
      %dma_wait3A_87 = arith.constant 0 : i32
      %dma_wait3A_88 = tpu.memref_slice %arg3[%dma_wait3A_86, %dma_wait3A_87] : memref<10400x768xf32, #tpu.memory_space<hbm>> -> memref<10400x768xf32, #tpu.memory_space<hbm>>
      tpu.wait_indirect_dma semaphore(%arg11 : memref<!tpu.dma_semaphore, #tpu.memory_space<semaphore_mem>>) src(%dma_wait3A_88 : memref<10400x768xf32, #tpu.memory_space<hbm>>) dst(%arg7 : memref<32x768xf32, #tpu.memory_space<vmem>>)
      %mul3A_89 = arith.constant 32 : i32
      %mul3A_90 = arith.muli %add3A_82, %mul3A_89 : i32
      %add3A_91 = arith.addi %mul3A_2, %mul3A_90 : i32
      %shift_right_logical3A_92 = arith.constant 10 : i32
      %shift_right_logical3A_93 = arith.shrui %add3A_91, %shift_right_logical3A_92 : i32
      %rem3A_94 = arith.constant 1024 : i32
      %rem3A_95 = arith.remsi %add3A_91, %rem3A_94 : i32
      %dma_start3A_96 = arith.constant 0 : i32
      %dma_start3A_97 = tpu.memref_slice %arg4[%shift_right_logical3A_93, %rem3A_95, %dma_start3A_96] : memref<100x1024x768xf32, #tpu.memory_space<hbm>> -> memref<1x32x768xf32, #tpu.memory_space<hbm>>
      %dma_start3A_98 = tpu.memref_squeeze %dma_start3A_97 : memref<1x32x768xf32, #tpu.memory_space<hbm>> -> memref<32x768xf32, #tpu.memory_space<hbm>>
      %dma_start3A_99 = arith.constant 0 : i32
      %dma_start3A_100 = tpu.memref_slice %arg4[%shift_right_logical3A_93, %rem3A_95, %dma_start3A_99] : memref<100x1024x768xf32, #tpu.memory_space<hbm>> -> memref<1x32x768xf32, #tpu.memory_space<hbm>>
      %dma_start3A_101 = tpu.memref_squeeze %dma_start3A_100 : memref<1x32x768xf32, #tpu.memory_space<hbm>> -> memref<32x768xf32, #tpu.memory_space<hbm>>
      tpu.enqueue_dma source(%arg7 : memref<32x768xf32, #tpu.memory_space<vmem>>) target(%dma_start3A_101 : memref<32x768xf32, #tpu.memory_space<hbm>>) target_semaphore(%arg15 : memref<!tpu.dma_semaphore, #tpu.memory_space<semaphore_mem>>)
      %add3A_102 = arith.constant 4 : i32
      %add3A_103 = arith.addi %add3A_82, %add3A_102 : i32
      %lt3A = arith.constant 100 : i32
      %lt3A_104 = arith.cmpi slt, %add3A_103, %lt3A : i32
      %convert_element_type3A = arith.extui %lt3A_104 : i1 to i32
      %cond3A = arith.constant 0 : i32
      %cond3A_105 = arith.cmpi ne, %convert_element_type3A, %cond3A : i32
      scf.if %cond3A_105 {
        %mul3A_196 = arith.constant 32 : i32
        %mul3A_197 = arith.muli %add3A_82, %mul3A_196 : i32
        %add3A_198 = arith.addi %mul3A_2, %mul3A_197 : i32
        %shift_right_logical3A_199 = arith.constant 10 : i32
        %shift_right_logical3A_200 = arith.shrui %add3A_198, %shift_right_logical3A_199 : i32
        %rem3A_201 = arith.constant 1024 : i32
        %rem3A_202 = arith.remsi %add3A_198, %rem3A_201 : i32
        %dma_wait3A_203 = arith.constant 0 : i32
        %dma_wait3A_204 = tpu.memref_slice %arg4[%shift_right_logical3A_200, %rem3A_202, %dma_wait3A_203] : memref<100x1024x768xf32, #tpu.memory_space<hbm>> -> memref<1x32x768xf32, #tpu.memory_space<hbm>>
        %dma_wait3A_205 = tpu.memref_squeeze %dma_wait3A_204 : memref<1x32x768xf32, #tpu.memory_space<hbm>> -> memref<32x768xf32, #tpu.memory_space<hbm>>
        %dma_wait3A_206 = arith.constant 0 : i32
        %dma_wait3A_207 = tpu.memref_slice %arg4[%shift_right_logical3A_200, %rem3A_202, %dma_wait3A_206] : memref<100x1024x768xf32, #tpu.memory_space<hbm>> -> memref<1x32x768xf32, #tpu.memory_space<hbm>>
        %dma_wait3A_208 = tpu.memref_squeeze %dma_wait3A_207 : memref<1x32x768xf32, #tpu.memory_space<hbm>> -> memref<32x768xf32, #tpu.memory_space<hbm>>
        tpu.wait_dma2 semaphore(%arg15 : memref<!tpu.dma_semaphore, #tpu.memory_space<semaphore_mem>>) src(%arg7 : memref<32x768xf32, #tpu.memory_space<vmem>>) dst(%dma_wait3A_208 : memref<32x768xf32, #tpu.memory_space<hbm>>)
        %add3A_209 = arith.constant 4 : i32
        %add3A_210 = arith.addi %add3A_82, %add3A_209 : i32
        %mul3A_211 = arith.constant 32 : i32
        %mul3A_212 = arith.muli %add3A_210, %mul3A_211 : i32
        %dma_start3A_213 = tpu.memref_slice %arg6[%mul3A_212] : memref<3200xi32, #tpu.memory_space<vmem>> -> memref<32xi32, #tpu.memory_space<vmem>>
        %dma_start3A_214 = arith.constant 0 : i32
        %dma_start3A_215 = arith.constant 0 : i32
        %dma_start3A_216 = tpu.memref_slice %arg3[%dma_start3A_214, %dma_start3A_215] : memref<10400x768xf32, #tpu.memory_space<hbm>> -> memref<10400x768xf32, #tpu.memory_space<hbm>>
        tpu.enqueue_indirect_dma source(%dma_start3A_216 : memref<10400x768xf32, #tpu.memory_space<hbm>>) target(%arg7 : memref<32x768xf32, #tpu.memory_space<vmem>>) offsets(%dma_start3A_213 : memref<32xi32, #tpu.memory_space<vmem>>) semaphore(%arg11 : memref<!tpu.dma_semaphore, #tpu.memory_space<semaphore_mem>>)
      } else {
      }
      %mul3A_106 = arith.constant 4 : i32
      %mul3A_107 = arith.muli %scan3A_78, %mul3A_106 : i32
      %add3A_108 = arith.constant 1 : i32
      %add3A_109 = arith.addi %mul3A_107, %add3A_108 : i32
      %mul3A_110 = arith.constant 32 : i32
      %mul3A_111 = arith.muli %add3A_109, %mul3A_110 : i32
      %dma_wait3A_112 = tpu.memref_slice %arg6[%mul3A_111] : memref<3200xi32, #tpu.memory_space<vmem>> -> memref<32xi32, #tpu.memory_space<vmem>>
      %dma_wait3A_113 = arith.constant 0 : i32
      %dma_wait3A_114 = arith.constant 0 : i32
      %dma_wait3A_115 = tpu.memref_slice %arg3[%dma_wait3A_113, %dma_wait3A_114] : memref<10400x768xf32, #tpu.memory_space<hbm>> -> memref<10400x768xf32, #tpu.memory_space<hbm>>
      tpu.wait_indirect_dma semaphore(%arg12 : memref<!tpu.dma_semaphore, #tpu.memory_space<semaphore_mem>>) src(%dma_wait3A_115 : memref<10400x768xf32, #tpu.memory_space<hbm>>) dst(%arg8 : memref<32x768xf32, #tpu.memory_space<vmem>>)
      %mul3A_116 = arith.constant 32 : i32
      %mul3A_117 = arith.muli %add3A_109, %mul3A_116 : i32
      %add3A_118 = arith.addi %mul3A_2, %mul3A_117 : i32
      %shift_right_logical3A_119 = arith.constant 10 : i32
      %shift_right_logical3A_120 = arith.shrui %add3A_118, %shift_right_logical3A_119 : i32
      %rem3A_121 = arith.constant 1024 : i32
      %rem3A_122 = arith.remsi %add3A_118, %rem3A_121 : i32
      %dma_start3A_123 = arith.constant 0 : i32
      %dma_start3A_124 = tpu.memref_slice %arg4[%shift_right_logical3A_120, %rem3A_122, %dma_start3A_123] : memref<100x1024x768xf32, #tpu.memory_space<hbm>> -> memref<1x32x768xf32, #tpu.memory_space<hbm>>
      %dma_start3A_125 = tpu.memref_squeeze %dma_start3A_124 : memref<1x32x768xf32, #tpu.memory_space<hbm>> -> memref<32x768xf32, #tpu.memory_space<hbm>>
      %dma_start3A_126 = arith.constant 0 : i32
      %dma_start3A_127 = tpu.memref_slice %arg4[%shift_right_logical3A_120, %rem3A_122, %dma_start3A_126] : memref<100x1024x768xf32, #tpu.memory_space<hbm>> -> memref<1x32x768xf32, #tpu.memory_space<hbm>>
      %dma_start3A_128 = tpu.memref_squeeze %dma_start3A_127 : memref<1x32x768xf32, #tpu.memory_space<hbm>> -> memref<32x768xf32, #tpu.memory_space<hbm>>
      tpu.enqueue_dma source(%arg8 : memref<32x768xf32, #tpu.memory_space<vmem>>) target(%dma_start3A_128 : memref<32x768xf32, #tpu.memory_space<hbm>>) target_semaphore(%arg16 : memref<!tpu.dma_semaphore, #tpu.memory_space<semaphore_mem>>)
      %add3A_129 = arith.constant 4 : i32
      %add3A_130 = arith.addi %add3A_109, %add3A_129 : i32
      %lt3A_131 = arith.constant 100 : i32
      %lt3A_132 = arith.cmpi slt, %add3A_130, %lt3A_131 : i32
      %convert_element_type3A_133 = arith.extui %lt3A_132 : i1 to i32
      %cond3A_134 = arith.constant 0 : i32
      %cond3A_135 = arith.cmpi ne, %convert_element_type3A_133, %cond3A_134 : i32
      scf.if %cond3A_135 {
        %mul3A_196 = arith.constant 32 : i32
        %mul3A_197 = arith.muli %add3A_109, %mul3A_196 : i32
        %add3A_198 = arith.addi %mul3A_2, %mul3A_197 : i32
        %shift_right_logical3A_199 = arith.constant 10 : i32
        %shift_right_logical3A_200 = arith.shrui %add3A_198, %shift_right_logical3A_199 : i32
        %rem3A_201 = arith.constant 1024 : i32
        %rem3A_202 = arith.remsi %add3A_198, %rem3A_201 : i32
        %dma_wait3A_203 = arith.constant 0 : i32
        %dma_wait3A_204 = tpu.memref_slice %arg4[%shift_right_logical3A_200, %rem3A_202, %dma_wait3A_203] : memref<100x1024x768xf32, #tpu.memory_space<hbm>> -> memref<1x32x768xf32, #tpu.memory_space<hbm>>
        %dma_wait3A_205 = tpu.memref_squeeze %dma_wait3A_204 : memref<1x32x768xf32, #tpu.memory_space<hbm>> -> memref<32x768xf32, #tpu.memory_space<hbm>>
        %dma_wait3A_206 = arith.constant 0 : i32
        %dma_wait3A_207 = tpu.memref_slice %arg4[%shift_right_logical3A_200, %rem3A_202, %dma_wait3A_206] : memref<100x1024x768xf32, #tpu.memory_space<hbm>> -> memref<1x32x768xf32, #tpu.memory_space<hbm>>
        %dma_wait3A_208 = tpu.memref_squeeze %dma_wait3A_207 : memref<1x32x768xf32, #tpu.memory_space<hbm>> -> memref<32x768xf32, #tpu.memory_space<hbm>>
        tpu.wait_dma2 semaphore(%arg16 : memref<!tpu.dma_semaphore, #tpu.memory_space<semaphore_mem>>) src(%arg8 : memref<32x768xf32, #tpu.memory_space<vmem>>) dst(%dma_wait3A_208 : memref<32x768xf32, #tpu.memory_space<hbm>>)
        %add3A_209 = arith.constant 4 : i32
        %add3A_210 = arith.addi %add3A_109, %add3A_209 : i32
        %mul3A_211 = arith.constant 32 : i32
        %mul3A_212 = arith.muli %add3A_210, %mul3A_211 : i32
        %dma_start3A_213 = tpu.memref_slice %arg6[%mul3A_212] : memref<3200xi32, #tpu.memory_space<vmem>> -> memref<32xi32, #tpu.memory_space<vmem>>
        %dma_start3A_214 = arith.constant 0 : i32
        %dma_start3A_215 = arith.constant 0 : i32
        %dma_start3A_216 = tpu.memref_slice %arg3[%dma_start3A_214, %dma_start3A_215] : memref<10400x768xf32, #tpu.memory_space<hbm>> -> memref<10400x768xf32, #tpu.memory_space<hbm>>
        tpu.enqueue_indirect_dma source(%dma_start3A_216 : memref<10400x768xf32, #tpu.memory_space<hbm>>) target(%arg8 : memref<32x768xf32, #tpu.memory_space<vmem>>) offsets(%dma_start3A_213 : memref<32xi32, #tpu.memory_space<vmem>>) semaphore(%arg12 : memref<!tpu.dma_semaphore, #tpu.memory_space<semaphore_mem>>)
      } else {
      }
      %mul3A_136 = arith.constant 4 : i32
      %mul3A_137 = arith.muli %scan3A_78, %mul3A_136 : i32
      %add3A_138 = arith.constant 2 : i32
      %add3A_139 = arith.addi %mul3A_137, %add3A_138 : i32
      %mul3A_140 = arith.constant 32 : i32
      %mul3A_141 = arith.muli %add3A_139, %mul3A_140 : i32
      %dma_wait3A_142 = tpu.memref_slice %arg6[%mul3A_141] : memref<3200xi32, #tpu.memory_space<vmem>> -> memref<32xi32, #tpu.memory_space<vmem>>
      %dma_wait3A_143 = arith.constant 0 : i32
      %dma_wait3A_144 = arith.constant 0 : i32
      %dma_wait3A_145 = tpu.memref_slice %arg3[%dma_wait3A_143, %dma_wait3A_144] : memref<10400x768xf32, #tpu.memory_space<hbm>> -> memref<10400x768xf32, #tpu.memory_space<hbm>>
      tpu.wait_indirect_dma semaphore(%arg13 : memref<!tpu.dma_semaphore, #tpu.memory_space<semaphore_mem>>) src(%dma_wait3A_145 : memref<10400x768xf32, #tpu.memory_space<hbm>>) dst(%arg9 : memref<32x768xf32, #tpu.memory_space<vmem>>)
      %mul3A_146 = arith.constant 32 : i32
      %mul3A_147 = arith.muli %add3A_139, %mul3A_146 : i32
      %add3A_148 = arith.addi %mul3A_2, %mul3A_147 : i32
      %shift_right_logical3A_149 = arith.constant 10 : i32
      %shift_right_logical3A_150 = arith.shrui %add3A_148, %shift_right_logical3A_149 : i32
      %rem3A_151 = arith.constant 1024 : i32
      %rem3A_152 = arith.remsi %add3A_148, %rem3A_151 : i32
      %dma_start3A_153 = arith.constant 0 : i32
      %dma_start3A_154 = tpu.memref_slice %arg4[%shift_right_logical3A_150, %rem3A_152, %dma_start3A_153] : memref<100x1024x768xf32, #tpu.memory_space<hbm>> -> memref<1x32x768xf32, #tpu.memory_space<hbm>>
      %dma_start3A_155 = tpu.memref_squeeze %dma_start3A_154 : memref<1x32x768xf32, #tpu.memory_space<hbm>> -> memref<32x768xf32, #tpu.memory_space<hbm>>
      %dma_start3A_156 = arith.constant 0 : i32
      %dma_start3A_157 = tpu.memref_slice %arg4[%shift_right_logical3A_150, %rem3A_152, %dma_start3A_156] : memref<100x1024x768xf32, #tpu.memory_space<hbm>> -> memref<1x32x768xf32, #tpu.memory_space<hbm>>
      %dma_start3A_158 = tpu.memref_squeeze %dma_start3A_157 : memref<1x32x768xf32, #tpu.memory_space<hbm>> -> memref<32x768xf32, #tpu.memory_space<hbm>>
      tpu.enqueue_dma source(%arg9 : memref<32x768xf32, #tpu.memory_space<vmem>>) target(%dma_start3A_158 : memref<32x768xf32, #tpu.memory_space<hbm>>) target_semaphore(%arg17 : memref<!tpu.dma_semaphore, #tpu.memory_space<semaphore_mem>>)
      %add3A_159 = arith.constant 4 : i32
      %add3A_160 = arith.addi %add3A_139, %add3A_159 : i32
      %lt3A_161 = arith.constant 100 : i32
      %lt3A_162 = arith.cmpi slt, %add3A_160, %lt3A_161 : i32
      %convert_element_type3A_163 = arith.extui %lt3A_162 : i1 to i32
      %cond3A_164 = arith.constant 0 : i32
      %cond3A_165 = arith.cmpi ne, %convert_element_type3A_163, %cond3A_164 : i32
      scf.if %cond3A_165 {
        %mul3A_196 = arith.constant 32 : i32
        %mul3A_197 = arith.muli %add3A_139, %mul3A_196 : i32
        %add3A_198 = arith.addi %mul3A_2, %mul3A_197 : i32
        %shift_right_logical3A_199 = arith.constant 10 : i32
        %shift_right_logical3A_200 = arith.shrui %add3A_198, %shift_right_logical3A_199 : i32
        %rem3A_201 = arith.constant 1024 : i32
        %rem3A_202 = arith.remsi %add3A_198, %rem3A_201 : i32
        %dma_wait3A_203 = arith.constant 0 : i32
        %dma_wait3A_204 = tpu.memref_slice %arg4[%shift_right_logical3A_200, %rem3A_202, %dma_wait3A_203] : memref<100x1024x768xf32, #tpu.memory_space<hbm>> -> memref<1x32x768xf32, #tpu.memory_space<hbm>>
        %dma_wait3A_205 = tpu.memref_squeeze %dma_wait3A_204 : memref<1x32x768xf32, #tpu.memory_space<hbm>> -> memref<32x768xf32, #tpu.memory_space<hbm>>
        %dma_wait3A_206 = arith.constant 0 : i32
        %dma_wait3A_207 = tpu.memref_slice %arg4[%shift_right_logical3A_200, %rem3A_202, %dma_wait3A_206] : memref<100x1024x768xf32, #tpu.memory_space<hbm>> -> memref<1x32x768xf32, #tpu.memory_space<hbm>>
        %dma_wait3A_208 = tpu.memref_squeeze %dma_wait3A_207 : memref<1x32x768xf32, #tpu.memory_space<hbm>> -> memref<32x768xf32, #tpu.memory_space<hbm>>
        tpu.wait_dma2 semaphore(%arg17 : memref<!tpu.dma_semaphore, #tpu.memory_space<semaphore_mem>>) src(%arg9 : memref<32x768xf32, #tpu.memory_space<vmem>>) dst(%dma_wait3A_208 : memref<32x768xf32, #tpu.memory_space<hbm>>)
        %add3A_209 = arith.constant 4 : i32
        %add3A_210 = arith.addi %add3A_139, %add3A_209 : i32
        %mul3A_211 = arith.constant 32 : i32
        %mul3A_212 = arith.muli %add3A_210, %mul3A_211 : i32
        %dma_start3A_213 = tpu.memref_slice %arg6[%mul3A_212] : memref<3200xi32, #tpu.memory_space<vmem>> -> memref<32xi32, #tpu.memory_space<vmem>>
        %dma_start3A_214 = arith.constant 0 : i32
        %dma_start3A_215 = arith.constant 0 : i32
        %dma_start3A_216 = tpu.memref_slice %arg3[%dma_start3A_214, %dma_start3A_215] : memref<10400x768xf32, #tpu.memory_space<hbm>> -> memref<10400x768xf32, #tpu.memory_space<hbm>>
        tpu.enqueue_indirect_dma source(%dma_start3A_216 : memref<10400x768xf32, #tpu.memory_space<hbm>>) target(%arg9 : memref<32x768xf32, #tpu.memory_space<vmem>>) offsets(%dma_start3A_213 : memref<32xi32, #tpu.memory_space<vmem>>) semaphore(%arg13 : memref<!tpu.dma_semaphore, #tpu.memory_space<semaphore_mem>>)
      } else {
      }
      %mul3A_166 = arith.constant 4 : i32
      %mul3A_167 = arith.muli %scan3A_78, %mul3A_166 : i32
      %add3A_168 = arith.constant 3 : i32
      %add3A_169 = arith.addi %mul3A_167, %add3A_168 : i32
      %mul3A_170 = arith.constant 32 : i32
      %mul3A_171 = arith.muli %add3A_169, %mul3A_170 : i32
      %dma_wait3A_172 = tpu.memref_slice %arg6[%mul3A_171] : memref<3200xi32, #tpu.memory_space<vmem>> -> memref<32xi32, #tpu.memory_space<vmem>>
      %dma_wait3A_173 = arith.constant 0 : i32
      %dma_wait3A_174 = arith.constant 0 : i32
      %dma_wait3A_175 = tpu.memref_slice %arg3[%dma_wait3A_173, %dma_wait3A_174] : memref<10400x768xf32, #tpu.memory_space<hbm>> -> memref<10400x768xf32, #tpu.memory_space<hbm>>
      tpu.wait_indirect_dma semaphore(%arg14 : memref<!tpu.dma_semaphore, #tpu.memory_space<semaphore_mem>>) src(%dma_wait3A_175 : memref<10400x768xf32, #tpu.memory_space<hbm>>) dst(%arg10 : memref<32x768xf32, #tpu.memory_space<vmem>>)
      %mul3A_176 = arith.constant 32 : i32
      %mul3A_177 = arith.muli %add3A_169, %mul3A_176 : i32
      %add3A_178 = arith.addi %mul3A_2, %mul3A_177 : i32
      %shift_right_logical3A_179 = arith.constant 10 : i32
      %shift_right_logical3A_180 = arith.shrui %add3A_178, %shift_right_logical3A_179 : i32
      %rem3A_181 = arith.constant 1024 : i32
      %rem3A_182 = arith.remsi %add3A_178, %rem3A_181 : i32
      %dma_start3A_183 = arith.constant 0 : i32
      %dma_start3A_184 = tpu.memref_slice %arg4[%shift_right_logical3A_180, %rem3A_182, %dma_start3A_183] : memref<100x1024x768xf32, #tpu.memory_space<hbm>> -> memref<1x32x768xf32, #tpu.memory_space<hbm>>
      %dma_start3A_185 = tpu.memref_squeeze %dma_start3A_184 : memref<1x32x768xf32, #tpu.memory_space<hbm>> -> memref<32x768xf32, #tpu.memory_space<hbm>>
      %dma_start3A_186 = arith.constant 0 : i32
      %dma_start3A_187 = tpu.memref_slice %arg4[%shift_right_logical3A_180, %rem3A_182, %dma_start3A_186] : memref<100x1024x768xf32, #tpu.memory_space<hbm>> -> memref<1x32x768xf32, #tpu.memory_space<hbm>>
      %dma_start3A_188 = tpu.memref_squeeze %dma_start3A_187 : memref<1x32x768xf32, #tpu.memory_space<hbm>> -> memref<32x768xf32, #tpu.memory_space<hbm>>
      tpu.enqueue_dma source(%arg10 : memref<32x768xf32, #tpu.memory_space<vmem>>) target(%dma_start3A_188 : memref<32x768xf32, #tpu.memory_space<hbm>>) target_semaphore(%arg18 : memref<!tpu.dma_semaphore, #tpu.memory_space<semaphore_mem>>)
      %add3A_189 = arith.constant 4 : i32
      %add3A_190 = arith.addi %add3A_169, %add3A_189 : i32
      %lt3A_191 = arith.constant 100 : i32
      %lt3A_192 = arith.cmpi slt, %add3A_190, %lt3A_191 : i32
      %convert_element_type3A_193 = arith.extui %lt3A_192 : i1 to i32
      %cond3A_194 = arith.constant 0 : i32
      %cond3A_195 = arith.cmpi ne, %convert_element_type3A_193, %cond3A_194 : i32
      scf.if %cond3A_195 {
        %mul3A_196 = arith.constant 32 : i32
        %mul3A_197 = arith.muli %add3A_169, %mul3A_196 : i32
        %add3A_198 = arith.addi %mul3A_2, %mul3A_197 : i32
        %shift_right_logical3A_199 = arith.constant 10 : i32
        %shift_right_logical3A_200 = arith.shrui %add3A_198, %shift_right_logical3A_199 : i32
        %rem3A_201 = arith.constant 1024 : i32
        %rem3A_202 = arith.remsi %add3A_198, %rem3A_201 : i32
        %dma_wait3A_203 = arith.constant 0 : i32
        %dma_wait3A_204 = tpu.memref_slice %arg4[%shift_right_logical3A_200, %rem3A_202, %dma_wait3A_203] : memref<100x1024x768xf32, #tpu.memory_space<hbm>> -> memref<1x32x768xf32, #tpu.memory_space<hbm>>
        %dma_wait3A_205 = tpu.memref_squeeze %dma_wait3A_204 : memref<1x32x768xf32, #tpu.memory_space<hbm>> -> memref<32x768xf32, #tpu.memory_space<hbm>>
        %dma_wait3A_206 = arith.constant 0 : i32
        %dma_wait3A_207 = tpu.memref_slice %arg4[%shift_right_logical3A_200, %rem3A_202, %dma_wait3A_206] : memref<100x1024x768xf32, #tpu.memory_space<hbm>> -> memref<1x32x768xf32, #tpu.memory_space<hbm>>
        %dma_wait3A_208 = tpu.memref_squeeze %dma_wait3A_207 : memref<1x32x768xf32, #tpu.memory_space<hbm>> -> memref<32x768xf32, #tpu.memory_space<hbm>>
        tpu.wait_dma2 semaphore(%arg18 : memref<!tpu.dma_semaphore, #tpu.memory_space<semaphore_mem>>) src(%arg10 : memref<32x768xf32, #tpu.memory_space<vmem>>) dst(%dma_wait3A_208 : memref<32x768xf32, #tpu.memory_space<hbm>>)
        %add3A_209 = arith.constant 4 : i32
        %add3A_210 = arith.addi %add3A_169, %add3A_209 : i32
        %mul3A_211 = arith.constant 32 : i32
        %mul3A_212 = arith.muli %add3A_210, %mul3A_211 : i32
        %dma_start3A_213 = tpu.memref_slice %arg6[%mul3A_212] : memref<3200xi32, #tpu.memory_space<vmem>> -> memref<32xi32, #tpu.memory_space<vmem>>
        %dma_start3A_214 = arith.constant 0 : i32
        %dma_start3A_215 = arith.constant 0 : i32
        %dma_start3A_216 = tpu.memref_slice %arg3[%dma_start3A_214, %dma_start3A_215] : memref<10400x768xf32, #tpu.memory_space<hbm>> -> memref<10400x768xf32, #tpu.memory_space<hbm>>
        tpu.enqueue_indirect_dma source(%dma_start3A_216 : memref<10400x768xf32, #tpu.memory_space<hbm>>) target(%arg10 : memref<32x768xf32, #tpu.memory_space<vmem>>) offsets(%dma_start3A_213 : memref<32xi32, #tpu.memory_space<vmem>>) semaphore(%arg14 : memref<!tpu.dma_semaphore, #tpu.memory_space<semaphore_mem>>)
      } else {
      }
    }
    %scan3A_32 = arith.constant 25 : i32
    %add3A_33 = arith.constant 3072 : i32
    %add3A_34 = arith.addi %mul3A_2, %add3A_33 : i32
    %shift_right_logical3A = arith.constant 10 : i32
    %shift_right_logical3A_35 = arith.shrui %add3A_34, %shift_right_logical3A : i32
    %rem3A = arith.constant 1024 : i32
    %rem3A_36 = arith.remsi %add3A_34, %rem3A : i32
    %dma_wait3A = arith.constant 0 : i32
    %dma_wait3A_37 = tpu.memref_slice %arg4[%shift_right_logical3A_35, %rem3A_36, %dma_wait3A] : memref<100x1024x768xf32, #tpu.memory_space<hbm>> -> memref<1x32x768xf32, #tpu.memory_space<hbm>>
    %dma_wait3A_38 = tpu.memref_squeeze %dma_wait3A_37 : memref<1x32x768xf32, #tpu.memory_space<hbm>> -> memref<32x768xf32, #tpu.memory_space<hbm>>
    %dma_wait3A_39 = arith.constant 0 : i32
    %dma_wait3A_40 = tpu.memref_slice %arg4[%shift_right_logical3A_35, %rem3A_36, %dma_wait3A_39] : memref<100x1024x768xf32, #tpu.memory_space<hbm>> -> memref<1x32x768xf32, #tpu.memory_space<hbm>>
    %dma_wait3A_41 = tpu.memref_squeeze %dma_wait3A_40 : memref<1x32x768xf32, #tpu.memory_space<hbm>> -> memref<32x768xf32, #tpu.memory_space<hbm>>
    tpu.wait_dma2 semaphore(%arg15 : memref<!tpu.dma_semaphore, #tpu.memory_space<semaphore_mem>>) src(%arg7 : memref<32x768xf32, #tpu.memory_space<vmem>>) dst(%dma_wait3A_41 : memref<32x768xf32, #tpu.memory_space<hbm>>)
    %add3A_42 = arith.constant 3104 : i32
    %add3A_43 = arith.addi %mul3A_2, %add3A_42 : i32
    %shift_right_logical3A_44 = arith.constant 10 : i32
    %shift_right_logical3A_45 = arith.shrui %add3A_43, %shift_right_logical3A_44 : i32
    %rem3A_46 = arith.constant 1024 : i32
    %rem3A_47 = arith.remsi %add3A_43, %rem3A_46 : i32
    %dma_wait3A_48 = arith.constant 0 : i32
    %dma_wait3A_49 = tpu.memref_slice %arg4[%shift_right_logical3A_45, %rem3A_47, %dma_wait3A_48] : memref<100x1024x768xf32, #tpu.memory_space<hbm>> -> memref<1x32x768xf32, #tpu.memory_space<hbm>>
    %dma_wait3A_50 = tpu.memref_squeeze %dma_wait3A_49 : memref<1x32x768xf32, #tpu.memory_space<hbm>> -> memref<32x768xf32, #tpu.memory_space<hbm>>
    %dma_wait3A_51 = arith.constant 0 : i32
    %dma_wait3A_52 = tpu.memref_slice %arg4[%shift_right_logical3A_45, %rem3A_47, %dma_wait3A_51] : memref<100x1024x768xf32, #tpu.memory_space<hbm>> -> memref<1x32x768xf32, #tpu.memory_space<hbm>>
    %dma_wait3A_53 = tpu.memref_squeeze %dma_wait3A_52 : memref<1x32x768xf32, #tpu.memory_space<hbm>> -> memref<32x768xf32, #tpu.memory_space<hbm>>
    tpu.wait_dma2 semaphore(%arg16 : memref<!tpu.dma_semaphore, #tpu.memory_space<semaphore_mem>>) src(%arg8 : memref<32x768xf32, #tpu.memory_space<vmem>>) dst(%dma_wait3A_53 : memref<32x768xf32, #tpu.memory_space<hbm>>)
    %add3A_54 = arith.constant 3136 : i32
    %add3A_55 = arith.addi %mul3A_2, %add3A_54 : i32
    %shift_right_logical3A_56 = arith.constant 10 : i32
    %shift_right_logical3A_57 = arith.shrui %add3A_55, %shift_right_logical3A_56 : i32
    %rem3A_58 = arith.constant 1024 : i32
    %rem3A_59 = arith.remsi %add3A_55, %rem3A_58 : i32
    %dma_wait3A_60 = arith.constant 0 : i32
    %dma_wait3A_61 = tpu.memref_slice %arg4[%shift_right_logical3A_57, %rem3A_59, %dma_wait3A_60] : memref<100x1024x768xf32, #tpu.memory_space<hbm>> -> memref<1x32x768xf32, #tpu.memory_space<hbm>>
    %dma_wait3A_62 = tpu.memref_squeeze %dma_wait3A_61 : memref<1x32x768xf32, #tpu.memory_space<hbm>> -> memref<32x768xf32, #tpu.memory_space<hbm>>
    %dma_wait3A_63 = arith.constant 0 : i32
    %dma_wait3A_64 = tpu.memref_slice %arg4[%shift_right_logical3A_57, %rem3A_59, %dma_wait3A_63] : memref<100x1024x768xf32, #tpu.memory_space<hbm>> -> memref<1x32x768xf32, #tpu.memory_space<hbm>>
    %dma_wait3A_65 = tpu.memref_squeeze %dma_wait3A_64 : memref<1x32x768xf32, #tpu.memory_space<hbm>> -> memref<32x768xf32, #tpu.memory_space<hbm>>
    tpu.wait_dma2 semaphore(%arg17 : memref<!tpu.dma_semaphore, #tpu.memory_space<semaphore_mem>>) src(%arg9 : memref<32x768xf32, #tpu.memory_space<vmem>>) dst(%dma_wait3A_65 : memref<32x768xf32, #tpu.memory_space<hbm>>)
    %add3A_66 = arith.constant 3168 : i32
    %add3A_67 = arith.addi %mul3A_2, %add3A_66 : i32
    %shift_right_logical3A_68 = arith.constant 10 : i32
    %shift_right_logical3A_69 = arith.shrui %add3A_67, %shift_right_logical3A_68 : i32
    %rem3A_70 = arith.constant 1024 : i32
    %rem3A_71 = arith.remsi %add3A_67, %rem3A_70 : i32
    %dma_wait3A_72 = arith.constant 0 : i32
    %dma_wait3A_73 = tpu.memref_slice %arg4[%shift_right_logical3A_69, %rem3A_71, %dma_wait3A_72] : memref<100x1024x768xf32, #tpu.memory_space<hbm>> -> memref<1x32x768xf32, #tpu.memory_space<hbm>>
    %dma_wait3A_74 = tpu.memref_squeeze %dma_wait3A_73 : memref<1x32x768xf32, #tpu.memory_space<hbm>> -> memref<32x768xf32, #tpu.memory_space<hbm>>
    %dma_wait3A_75 = arith.constant 0 : i32
    %dma_wait3A_76 = tpu.memref_slice %arg4[%shift_right_logical3A_69, %rem3A_71, %dma_wait3A_75] : memref<100x1024x768xf32, #tpu.memory_space<hbm>> -> memref<1x32x768xf32, #tpu.memory_space<hbm>>
    %dma_wait3A_77 = tpu.memref_squeeze %dma_wait3A_76 : memref<1x32x768xf32, #tpu.memory_space<hbm>> -> memref<32x768xf32, #tpu.memory_space<hbm>>
    tpu.wait_dma2 semaphore(%arg18 : memref<!tpu.dma_semaphore, #tpu.memory_space<semaphore_mem>>) src(%arg10 : memref<32x768xf32, #tpu.memory_space<vmem>>) dst(%dma_wait3A_77 : memref<32x768xf32, #tpu.memory_space<hbm>>)
    return
  }
}

module attributes {stable_mosaic.version = 14 : i64} {
  func.func @_combine_body(%arg0: i32, %arg1: memref<104x768xf32, #tpu.memory_space<vmem>>, %arg2: memref<4x1x768xf32, #tpu.memory_space<vmem>>, %arg3: memref<4x104x768xf32, #tpu.memory_space<vmem>>) attributes {dimension_semantics = [#tpu.dimension_semantics<arbitrary>], iteration_bounds = array<i64: 25>, scalar_prefetch = 0 : i64, scratch_operands = 0 : i64, tpu.core_type = #tpu.core_type<tc>, window_params = [{pipeline_mode = #tpu.pipeline_mode<synchronous>, transform_indices = @transform_0, window_bounds = array<i64: 104, 768>}, {transform_indices = @transform_1, window_bounds = array<i64: 4, 1, 768>}, {transform_indices = @transform_2, window_bounds = array<i64: 4, 104, 768>}]} {
    %get3A = arith.constant 0 : index
    %get3A_0 = arith.constant 0 : index
    %get3A_1 = vector.load %arg1[%get3A, %get3A_0] : memref<104x768xf32, #tpu.memory_space<vmem>>, vector<104x768xf32>
    %get3A_2 = arith.constant 0 : index
    %get3A_3 = arith.constant 0 : index
    %get3A_4 = arith.constant 0 : index
    %get3A_5 = vector.load %arg2[%get3A_2, %get3A_3, %get3A_4] : memref<4x1x768xf32, #tpu.memory_space<vmem>>, vector<4x1x768xf32>
    %get3A_6 = vector.shape_cast %get3A_5 : vector<4x1x768xf32> to vector<4x768xf32>
    %broadcast_in_dim3A = vector.shape_cast %get3A_6 : vector<4x768xf32> to vector<4x1x768xf32>
    %broadcast_in_dim3A_7 = vector.shape_cast %get3A_1 : vector<104x768xf32> to vector<1x104x768xf32>
    %mul3A = vector.broadcast %broadcast_in_dim3A_7 : vector<1x104x768xf32> to vector<4x104x768xf32>
    %mul3A_8 = vector.broadcast %broadcast_in_dim3A : vector<4x1x768xf32> to vector<4x104x768xf32>
    %mul3A_9 = arith.mulf %mul3A, %mul3A_8 : vector<4x104x768xf32>
    %swap3A = arith.constant 0 : index
    %swap3A_10 = arith.constant 0 : index
    %swap3A_11 = arith.constant 0 : index
    %swap3A_12 = vector.load %arg3[%swap3A, %swap3A_10, %swap3A_11] : memref<4x104x768xf32, #tpu.memory_space<vmem>>, vector<4x104x768xf32>
    tpu.vector_store %arg3[%swap3A, %swap3A_10, %swap3A_11], %mul3A_9 {strides = array<i32>} : memref<4x104x768xf32, #tpu.memory_space<vmem>>, vector<4x104x768xf32>,
    return
  }
  func.func @transform_0(%arg0: i32) -> (i32, i32) {
    %c0_i32 = arith.constant 0 : i32
    %c0_i32_0 = arith.constant 0 : i32
    %c0_i32_1 = arith.constant 0 : i32
    return %c0_i32, %c0_i32_0 : i32, i32
  }
  func.func @transform_1(%arg0: i32) -> (i32, i32, i32) {
    %c0_i32 = arith.constant 0 : i32
    %c0_i32_0 = arith.constant 0 : i32
    %c0_i32_1 = arith.constant 0 : i32
    return %arg0, %c0_i32, %c0_i32_0 : i32, i32, i32
  }
  func.func @transform_2(%arg0: i32) -> (i32, i32, i32) {
    %c0_i32 = arith.constant 0 : i32
    %c0_i32_0 = arith.constant 0 : i32
    %c0_i32_1 = arith.constant 0 : i32
    return %arg0, %c0_i32, %c0_i32_0 : i32, i32, i32
  }
}

</mosaic_0001>

<sc_bundles>
// kernel: kernel.4.cloned.1.call-start
scs
__scs_entry_jumppad:
0x0: {  	(pc) =	sbr.rel $0x88, $3  }
0x1: {  	(tag) =	ssettag $0x0;
	lr =	simm.s32 $0x1  }
0x2: {  	[smem:$0x3F9E] =	sst lr;
	_ =	strace $0xD0000000  }
0x3: {  	_ = 	snop  }
0x4: {  	_ = 	snop  }
0x5: {  	_ = 	snop  }
0x6: {  	_ = 	snop  }
0x7: {  	_ = 	snop  }
__scs_overlays_trampoline_lowered:
0x8: {  	[smem:$0x3FAD] =	sst s0  }
0x9: {  	[smem:$0x3FAE] =	sst s1  }
0xa: {  	[smem:$0x3FAF] =	sst s2  }
0xb: {  	[smem:$0x3FB0] =	sst s3  }
0xc: {  	[smem:$0x3FB1] =	sst s4  }
0xd: {  	[smem:$0x3FB2] =	sst s5  }
0xe: {  	[smem:$0x3FB3] =	sst s6  }
0xf: {  	[smem:$0x3FB4] =	sst s7  }
0x10: {  	[smem:$0x3FB5] =	sst s8  }
0x11: {  	[smem:$0x3FB6] =	sst s9;
	s0 =	simm.s32 @!p0 $0x0  }
0x12: {  	s1 =	sld [smem:$0x3F9C];
	s0 =	simm.s32 @p0 $0x1  }
0x13: {  	[smem:$0x3FB7] =	sst s0;
	s0 =	simm.s32 @!p1 $0x0  }
0x14: {  	s2 =	sld [smem:$0x3F9B];
	s0 =	simm.s32 @p1 $0x1  }
0x15: {  	[smem:$0x3FB8] =	sst s0;
	s0 =	simm.s32 @!p2 $0x0  }
0x16: {  	s3 =	sld [smem:$0x3FDB];
	s0 =	simm.s32 @p2 $0x1  }
0x17: {  	s4 =	simm.s32 $0x1BF5;
	[smem:$0x3FBA] =	sst s0  }
0x18: {  	s0 =	sld [smem:$0x3F9D];
	_ =	swait.ge [sflag:s4], $0x0  }
0x19: {  	s7 =	sld [smem:$0x3F9E]  }
0x1a: {  	s8 =	sadd.s32 $0xFFFFE003, lr  }
0x1b: {  	s9 =	sadd.s32 $0xFFFFFEF7, lr;
	s5 =	simm.s32 $0xFFFFFFFF;
	p2 =	slt.u32 s8, $0xFFFFF086  }
0x1c: {  	p1 =	slt.u32 s9, $0xF7A;
	s5 =	simm.s32 @!p2 $0x0  }
0x1d: {  	s5 =	simm.s32 @p1 $0x1;
	p0 =	seq.s32 s7, s2  }
0x1e: {  	s7 =	smul.u32 @!p0 $0xF7A, s2;
	p2 =	seq.s32 @!p0 s5, $0x0  }
0x1f: {  	s9 =	smul.u32 $0xF7A, s1;
	s8 =	simm.s32 @!p0 $0x1BF5;
	p2 =	por !p2, p0  }
0x20: {  	[sflag:s8] =	ssyncset.s32 @!p0 $0xFFFFF086;
	s6 =	sadd.s32 @!p0 s3, s7;
	s7 =	simm.s32 @!p0 $0x108  }
0x21: {  	s3 =	sadd.s32 s3, s9;
	s6 =	sadd.s32 @!p0 $0x88, s6;
	s7 =	simm.s32 @p2 $0x1082  }
0x22: {  	[simem:s7], [sflag:s8] =	dma.local @!p0 [hbm:s6], $0xF7A  }
0x23: {  	s9 =	sor.u32 $0xD0000000, s2;
	s6 =	simm.s32 $0x108;
	_ =	swait.ge @!p0 [sflag:s8], $0x0  }
0x24: {  	s3 =	sadd.s32 $0x88, s3;
	s6 =	simm.s32 @!p1 $0x1082;
	[sflag:s4] =	ssyncset.s32 $0xFFFFF086  }
0x25: {  	[simem:s6], [sflag:s4] =	dma.local [hbm:s3], $0xF7A  }
0x26: {  	[smem:$0x3F9E] =	sst s1;
	(tag) =	ssettag s2;
	_ =	strace s9  }
0x27: {  	s1 =	sld [smem:$0x3FAE]  }
0x28: {  	s2 =	sld [smem:$0x3FAF]  }
0x29: {  	s4 =	sld [smem:$0x3FB1]  }
0x2a: {  	p0 =	seq.s32 s5, $0x0;
	s5 =	sld [smem:$0x3FB2]  }
0x2b: {  	s6 =	sld [smem:$0x3FB3]  }
0x2c: {  	s7 =	sld [smem:$0x3FB4]  }
0x2d: {  	s3 =	simm.s32 $0x108;
	s8 =	sld [smem:$0x3FB5]  }
0x2e: {  	s3 =	simm.s32 @!p0 $0x1082;
	s9 =	sld [smem:$0x3FB6]  }
0x2f: {  	lr =	sadd.s32 s0, s3;
	s0 =	sld [smem:$0x3FAD]  }
0x30: {  	s3 =	sld [smem:$0x3FB0]  }
0x31: {  	[smem:$0x3FB9] =	sst s10  }
0x32: {  	s10 =	sld [smem:$0x3FB7];
	_ =	sdelay $0x3  }
0x33: {  	p0 =	seq.s32 s10, $0x1;
	s10 =	sld [smem:$0x3FB9];
	_ =	sdelay $0x3  }
0x34: {  	[smem:$0x3FB9] =	sst s10  }
0x35: {  	s10 =	sld [smem:$0x3FB8];
	_ =	sdelay $0x3  }
0x36: {  	p1 =	seq.s32 s10, $0x1;
	s10 =	sld [smem:$0x3FB9];
	_ =	sdelay $0x3  }
0x37: {  	[smem:$0x3FB9] =	sst s10  }
0x38: {  	s10 =	sld [smem:$0x3FBA]  }
0x39: {  	_ = 	snop;
	(pc) =	sbr.ind lr, $3  }
0x3a: {  	_ = 	snop  }
0x3b: {  	_ = 	snop  }
0x3c: {  	p2 =	seq.s32 s10, $0x1;
	s10 =	sld [smem:$0x3FB9]  }
0x3d: {  	_ =	shalt  }
0x3e: {  	_ =	shalt  }
0x3f: {  	_ =	shalt  }
0x40: {  	_ =	shalt  }
0x41: {  	_ =	shalt  }
0x42: {  	_ =	shalt  }
0x43: {  	_ =	shalt  }
0x44: {  	_ =	shalt  }
0x45: {  	_ =	shalt  }
0x46: {  	_ =	shalt  }
0x47: {  	_ =	shalt  }
0x48: {  	_ =	shalt  }
0x49: {  	_ =	shalt  }
0x4a: {  	_ =	shalt  }
0x4b: {  	_ =	shalt  }
0x4c: {  	_ =	shalt  }
0x4d: {  	_ =	shalt  }
0x4e: {  	_ =	shalt  }
0x4f: {  	_ =	shalt  }
0x50: {  	_ =	shalt  }
0x51: {  	_ =	shalt  }
0x52: {  	_ =	shalt  }
0x53: {  	_ =	shalt  }
0x54: {  	_ =	shalt  }
0x55: {  	_ =	shalt  }
0x56: {  	_ =	shalt  }
0x57: {  	_ =	shalt  }
0x58: {  	_ =	shalt  }
0x59: {  	_ =	shalt  }
0x5a: {  	_ =	shalt  }
0x5b: {  	_ =	shalt  }
0x5c: {  	_ =	shalt  }
0x5d: {  	_ =	shalt  }
0x5e: {  	_ =	shalt  }
0x5f: {  	_ =	shalt  }
0x60: {  	_ =	shalt  }
0x61: {  	_ =	shalt  }
0x62: {  	_ =	shalt  }
0x63: {  	_ =	shalt  }
0x64: {  	_ =	shalt  }
0x65: {  	_ =	shalt  }
0x66: {  	_ =	shalt  }
0x67: {  	_ =	shalt  }
0x68: {  	_ =	shalt  }
0x69: {  	_ =	shalt  }
0x6a: {  	_ =	shalt  }
0x6b: {  	_ =	shalt  }
0x6c: {  	_ =	shalt  }
0x6d: {  	_ =	shalt  }
0x6e: {  	_ =	shalt  }
0x6f: {  	_ =	shalt  }
0x70: {  	_ =	shalt  }
0x71: {  	_ =	shalt  }
0x72: {  	_ =	shalt  }
0x73: {  	_ =	shalt  }
0x74: {  	_ =	shalt  }
0x75: {  	_ =	shalt  }
0x76: {  	_ =	shalt  }
0x77: {  	_ =	shalt  }
0x78: {  	_ =	shalt  }
0x79: {  	_ =	shalt  }
0x7a: {  	_ =	shalt  }
0x7b: {  	_ =	shalt  }
0x7c: {  	_ =	shalt  }
0x7d: {  	_ =	shalt  }
0x7e: {  	_ =	shalt  }
0x7f: {  	_ =	shalt  }
0x80: {  	_ =	shalt  }
0x81: {  	_ =	shalt  }
0x82: {  	_ =	shalt  }
0x83: {  	_ =	shalt  }
0x84: {  	_ =	shalt  }
0x85: {  	_ =	shalt  }
0x86: {  	_ =	shalt  }
0x87: {  	_ =	shalt  }
.Lfunc_end0:
.L_simem_size_0:
called_computation_lowered:
.L_overlay_start_0:
0x88: {  	s2 =	sld [smem:$0x3FD9]  }
0x89: {  	s3 =	sld [smem:$0x3FFE];
	_ =	sdelay $0x1  }
0x8a: {  	s1 =	srdreg.scid  }
0x8b: {  	s0 =	sand.u32 $0x1, s1  }
0x8c: {  	s17 =	sshll.u32 s0, $0xA;
	s2 =	sadd.s32 s3, s2  }
0x8d: {  	s2 =	sadd.s32 s2, s17  }
0x8e: {  	[smem:$0x3FC5] =	sst s2  }
0x8f: {  	_ = 	snop  }
0x90: {  	s2 =	sld [smem:$0x3FD0];
	(tm) =	ssettm $0x1  }
0x91: {  	s18 =	sld [smem:$0x3FFB];
	_ =	sdelay $0x3  }
0x92: {  	_ =	strace s18  }
0x93: {  	s3 =	sld [smem:$0x3FFC];
	_ =	sdelay $0x3  }
0x94: {  	_ =	strace s3  }
0x95: {  	s3 =	sld [smem:$0x3FFD];
	_ =	sdelay $0x3  }
0x96: {  	_ =	strace s3  }
0x97: {  	_ =	strace $0x8FFFFFFF  }
0x98: {  	s19 =	sld [smem:$0x3FDB];
	_ =	sdelay $0x1  }
0x99: {  	s4 =	simm.s32 $_scs_section_size  }
0x9a: {  	s5 =	simm.s32 $_size__tile_overlayer_lowered;
	s6 =	simm.s32 $_tile_overlayer_lowered  }
0x9b: {  	s22 =	simm.s32 $0x1BFF;
	s21 =	sshll.u32 s6, $0x1;
	s3 =	sadd.s32 s4, s19  }
0x9c: {  	s7 =	simm.s32 $0x0;
	s20 =	sshll.u32 s5, $0x1;
	s5 =	sadd.s32 s21, s3  }
0x9d: {  	[timem:s7], [sflag:s22] =	dma.local [hbm:s5], s20  }
0x9e: {  	_ =	swait.ge [sflag:s22], s20  }
0x9f: {  	s4 =	ssub.s32 $0x0, s20;
	[sflag:s22] =	ssyncset.done $0x0  }
0xa0: {  	[sflag:s22] =	ssyncadd.s32 s4;
	_ =	sdelay $0x1  }
0xa1: {  	s23 =	simm.s32 $0x1B8B  }
0xa2: {  	_ =	swait.ge [sflag:s23], $0x1  }
0xa3: {  	[sflag:s23] =	ssyncset.done $0x0  }
0xa4: {  	s25 =	simm.s32 $0x1B8E;
	s24 =	sld [smem:$0x3FFE];
	[sflag:s23] =	ssyncadd.s32 $0xFFFFFFFF  }
0xa5: {  	s26 =	simm.s32 $execute0_lowered;
	[smem:$0x3FD2] =	sst s25  }
0xa6: {  	s5 =	sshll.u32 s26, $0x1;
	_ =	strace $0x80000046;
	[dreg:$0x1] =	wrdreg $0xFFFFFFFF  }
0xa7: {  	s28 =	simm.s32 $_size_execute0_lowered;
	s3 =	sadd.s32 s3, s5;
	[dreg:$0x0] =	wrdreg $0x0  }
0xa8: {  	s5 =	sshll.u32 s28, $0x1;
	[dreg:$0x2] =	wrdreg s3  }
0xa9: {  	[dreg:$0x3] =	wrdreg s5  }
0xaa: {  	[dreg:$0x4] =	wrdreg $0xC0  }
0xab: {  	_ =	task [dreg:s7], $0x5FFFF  }
0xac: {  	[dreg:$0x1] =	wrdreg $0xFFFFFFFF  }
0xad: {  	[dreg:$0x0] =	wrdreg $0x60  }
0xae: {  	[dreg:$0x2] =	wrdreg s24  }
0xaf: {  	[dreg:$0x3] =	wrdreg s2  }
0xb0: {  	[dreg:$0x4] =	wrdreg $0x9  }
0xb1: {  	_ =	task.clear_ibuf [dreg:s7], $0x5FFFF;
	_ =	strace $0x90000046  }
0xb2: {  	s29 =	simm.s32 $0x9;
	_ =	strace $0x80000048  }
0xb3: {  	_ =	swait.ge [sflag:s29], $0x1  }
0xb4: {  	[sflag:s29] =	ssyncadd.s32 $0xFFFFFFFF  }
0xb5: {  	_ =	strace $0x90000048  }
0xb6: {  	_ =	sfence  }
0xb7: {  	s30 =	sld [smem:$0x0];
	_ =	sdelay $0x2  }
0xb8: {  	s31 =	sshll.u32 s1, $0xD;
	s1 =	sshrl.u32 s1, $0x2  }
0xb9: {  	s3 =	sand.u32 $0x4000, s31;
	s1 =	sadd.s32 s1, s30  }
0xba: {  	s0 =	sor.u32 s3, s0;
	s1 =	sshll.u32 s1, $0x11  }
0xbb: {  	s0 =	sor.u32 s1, s0  }
0xbc: {  	s0 =	sadd.s32 $0x8F2B, s0  }
0xbd: {  	[sflag:s0] =	ssyncadd.remote.s32 $0x1  }
0xbe: {  	_ =	sfence.sel $0xFFFF  }
0xbf: {  	[dreg:$0x0] =	wrdreg $0xFFFFFFFF;
	(pc) =	sbr.abs _section_cstart, $3  }
0xc0: {  	[dreg:$0x1] =	wrdreg $0xFFFFFFFF  }
0xc1: {  	_ =	task.clear_ibuf [dreg:s7], $0x2FFFF;
	_ =	strace $0x9FFFFFFF  }
0xc2: {  	(tm) =	ssettm $0x7FFFFFFF  }
0xc3: {  	_ =	shalt  }
tec
execute0_lowered:
.L_overlay_start_1:
0x0: {  	(tag) =	ssettag $0x1  }
0x1: {  	s0 =	rddreg [dreg:$0x0];
	s1 =	srdreg.scid  }
0x2: {  	s6 =	stileid.u32;
	s2 =	rddreg [dreg:$0x1]  }
0x3: {  	s3 =	simm.s32 $0x0;
	s21 =	simm.s32 $0x13900;
	s28 =	simm.s32 $0x16100  }
0x4: {  	s30 =	simm.s32 $0x16900;
	s31 =	simm.s32 $0x17100;
	s17 =	simm.s32 $0x18900  }
0x5: {  	s18 =	simm.s32 $0x19100;
	s19 =	simm.s32 $0x1;
	s20 =	simm.s32 $0x2  }
0x6: {  	s9 =	simm.s32 $0x4;
	s15 =	simm.s32 $0x8;
	s10 =	simm.s32 $0x0  }
0x7: {  	s1 =	sand.u32 $0x1, s1;
	s4 =	sshll.u32 s6, $0x1;
	s8 =	smul.u32 $0x1900, s6  }
0x8: {  	s4 =	sor.u32 s1, s4;
	s5 =	ssub.s32 $0x2, s1;
	s1 =	smul.u32 $0xC80, s1  }
0x9: {  	[smem:$0x7FF] =	sst s3;
	s4 =	smul.u32 $0xC80, s4;
	s7 =	sshrl.u32 s5, $0x1  }
0xa: {  	_ =	strace $0x80000047;
	s5 =	ssub.s32 s5, s7;
	s7 =	sadd.s32 $0x3800, s0  }
0xb: {  	s1 =	sadd.s32 s1, s8;
	s4 =	sshrl.u32 s4, $0x3;
	s24 =	smax.u32 s5, $0x1  }
0xc: {  	s25 =	sor.u32 $0x60, s1;
	s26 =	sor.u32 $0x40, s1;
	s29 =	sor.u32 $0x20, s1  }
0xd: {  	[dreg:$0x4] =	wrdreg s1;
	s14 =	sshrl.u32 s1, $0x3;
	s1 =	simm.s32 $0x17900  }
.Ltmp0:
0xe: {  	s5 =	simm.s32 $0x3;
	[dreg:$0x5] =	wrdreg s24;
	(pc) =	sbr.rel .LBB2_1-.Ltmp0, $4  }
0xf: {  	s23 =	sadd.s32 s4, s0;
	s4 =	sadd.s32 $0x3600, s0;
	[dreg:$0x6] =	wrdreg s25  }
0x10: {  	v2 =	vlaneseq.u32;
	s11 =	sshrl.u32 s25, $0x3;
	s12 =	sshrl.u32 s26, $0x3;
	s13 =	sshrl.u32 s29, $0x3  }
0x11: {  	vm0 =	vmmov $0xffff;
	v1 =	vshrl.u32 v2, $0x3;
	s25 =	simm.s32 $0x15100;
	s26 =	simm.s32 $0x15900;
	s6 =	sadd.s32 $0x400, s23  }
0x12: {  	v0 =	vand.u32 $0x7, v2;
	v2 =	vor.u32 $0x8, v2;
	v1 =	vmul.u32 $0x8, v1;
	[dreg:$0x3] =	wrdreg s6;
	s6 =	sadd.s32 $0x3700, s0;
	s0 =	simm.s32 $0x18100  }
.LBB2_6:
0x13: {  	s8 =	simm.s32 $0x5  }
0x14: {  	_ =	swait.ge [sflag:s8], $0x6000  }
0x15: {  	[sflag:s8] =	ssyncset.done $0x0  }
0x16: {  	s23 =	simm.s32 $0x6;
	[sflag:s8] =	ssyncadd.s32 $0xFFFFA000  }
0x17: {  	_ =	swait.ge [sflag:s23], $0x6000  }
0x18: {  	[sflag:s23] =	ssyncset.done $0x0  }
0x19: {  	s24 =	simm.s32 $0x7;
	[sflag:s23] =	ssyncadd.s32 $0xFFFFA000  }
0x1a: {  	_ =	swait.ge [sflag:s24], $0x6000  }
0x1b: {  	[sflag:s24] =	ssyncset.done $0x0  }
0x1c: {  	[sflag:s24] =	ssyncadd.s32 $0xFFFFA000  }
0x1d: {  	_ =	swait.ge [sflag:s15], $0x6000  }
0x1e: {  	s10 =	rddreg [dreg:$0x7]  }
0x1f: {  	s29 =	rddreg [dreg:$0x5];
	s10 =	sadd.s32 $0x1, s10  }
0x20: {  	p0 =	sne.s32 s10, s29  }
.Ltmp1:
0x21: {  	_ = 	snop;
	(pc) =	sbr.rel @!p0 .LBB2_7-.Ltmp1, $3  }
0x22: {  	_ =	sdelay $0x1  }
0x23: {  	[sflag:s15] =	ssyncset.done $0x0  }
0x24: {  	[sflag:s15] =	ssyncadd.s32 $0xFFFFA000  }
.LBB2_1:
0x25: {  	[dreg:$0x7] =	wrdreg s10  }
0x26: {  	s8 =	rddreg [dreg:$0x3];
	s29 =	simm.s32 $0x9  }
0x27: {  	[tilespmem:s3], [sflag:$0x9] =	stream.linear.gather [hbm4b:s8+s3], $0xC80, $0x38;
	[tilespmem:$0x19900] =	vst v63  }
0x28: {  	s16 =	rddreg [dreg:$0x4];
	_ =	swait.ge [sflag:s29], $0xC80  }
0x29: {  	v3 =	vmov s16;
	[sflag:s29] =	ssyncset.done $0x0  }
0x2a: {  	s8 =	simm.s32 $0x0;
	v3 =	vshrl.u32 v3, $0xA;
	[sflag:s29] =	ssyncadd.s32 $0xFFFFF380  }
0x2b: {  	v4 =	vmul.u32 $0x68, v3;
	v3 =	vld [tilespmem:s8+$0x0];
	_ =	sdelay $0x2  }
0x2c: {  	v4 =	vbroadcast v4, $0x0  }
0x2d: {  	s10 =	simm.s32 $0x40;
	s16 =	sadd.s32 $0x10, s16  }
.LBB2_2:
0x2e: {  	v5 =	vmov s16;
	s29 =	sshra.s32 s10, $0x2;
	p0 =	sne.s32 s10, $0x31C0;
	s10 =	sadd.s32 $0x40, s10;
	v4 =	vadd.s32 v4, v3  }
.Ltmp2:
0x2f: {  	v3 =	vld [tilespmem:s29+$0x0];
	v5 =	vshrl.u32 v5, $0xA;
	[tilespmem:s8+$0xC80] =	vst v4;
	s8 =	smov.u32 s29;
	(pc) =	sbr.rel @p0 .LBB2_2-.Ltmp2, $3  }
0x30: {  	v4 =	vmul.u32 $0x68, v5;
	_ =	sdelay $0x1  }
0x31: {  	v4 =	vbroadcast v4, $0x0  }
0x32: {  	s16 =	sadd.s32 $0x10, s16  }
0x33: {  	v3 =	vadd.s32 v4, v3  }
0x34: {  	[tilespmem:s8+$0xC80] =	vst v3  }
0x35: {  	v3 =	vld [tilespmem:$0xC80];
	_ =	sdelay $0x4  }
0x36: {  	v56 =	vshrl.u32 v3, $0x3  }
0x37: {  	v4 =	vmul.u32 $0x30, v56  }
0x38: {  	v3 =	vand.u32 $0x7, v3  }
0x39: {  	v3 =	vor.u32 v3, v4  }
0x3a: {  	v4 =	vperm.xlane v3, v0;
	_ =	sdelay $0x1  }
0x3b: {  	v4 =	vadd.s32 v1, v4;
	_ =	sdelay $0x3  }
0x3c: {  	s10 =	simm.s32 $0x1900;
	s8 =	simm.s32 $0x0;
	v3 =	vperm.xlane v3, v2  }
0x3d: {  	[tilespmem:s10], [sflag:$0x1] =	stream.indirect_vreg.gather [hbm4b:s4+s8], $0x80, v4, vm0, $0xb8;
	[tilespmem:$0x19900] =	vst v63  }
0x3e: {  	s24 =	simm.s32 $0x2100;
	v3 =	vadd.s32 v1, v3  }
0x3f: {  	[tilespmem:s24], [sflag:$0x1] =	stream.indirect_vreg.gather [hbm4b:s6+s8], $0x80, v4, vm0, $0xb8;
	[tilespmem:$0x19900] =	vst v63  }
0x40: {  	s29 =	simm.s32 $0x2900  }
0x41: {  	[tilespmem:s29], [sflag:$0x1] =	stream.indirect_vreg.gather [hbm4b:s7+s8], $0x80, v4, vm0, $0xb8;
	[tilespmem:$0x19900] =	vst v63  }
0x42: {  	s16 =	simm.s32 $0x3100  }
0x43: {  	[tilespmem:s16], [sflag:$0x1] =	stream.indirect_vreg.gather [hbm4b:s4+s8], $0x80, v3, vm0, $0xb8;
	[tilespmem:$0x19900] =	vst v63  }
0x44: {  	s22 =	simm.s32 $0x3900  }
0x45: {  	[tilespmem:s22], [sflag:$0x1] =	stream.indirect_vreg.gather [hbm4b:s6+s8], $0x80, v3, vm0, $0xb8;
	[tilespmem:$0x19900] =	vst v63  }
0x46: {  	s23 =	simm.s32 $0x4100  }
0x47: {  	[tilespmem:s23], [sflag:$0x1] =	stream.indirect_vreg.gather [hbm4b:s7+s8], $0x80, v3, vm0, $0xb8;
	[tilespmem:$0x19900] =	vst v63  }
0x48: {  	v3 =	vld [tilespmem:$0xC90];
	_ =	sdelay $0x4  }
0x49: {  	v57 =	vshrl.u32 v3, $0x3  }
0x4a: {  	v4 =	vmul.u32 $0x30, v57  }
0x4b: {  	v3 =	vand.u32 $0x7, v3  }
0x4c: {  	v3 =	vor.u32 v3, v4  }
0x4d: {  	v4 =	vperm.xlane v3, v0;
	_ =	sdelay $0x1  }
0x4e: {  	v4 =	vadd.s32 v1, v4;
	_ =	sdelay $0x3  }
0x4f: {  	s24 =	simm.s32 $0x4900;
	v3 =	vperm.xlane v3, v2  }
0x50: {  	[tilespmem:s24], [sflag:$0x1] =	stream.indirect_vreg.gather [hbm4b:s4+s8], $0x80, v4, vm0, $0xb8;
	[tilespmem:$0x19900] =	vst v63  }
0x51: {  	s29 =	simm.s32 $0x5100;
	v3 =	vadd.s32 v1, v3  }
0x52: {  	[tilespmem:s29], [sflag:$0x1] =	stream.indirect_vreg.gather [hbm4b:s6+s8], $0x80, v4, vm0, $0xb8;
	[tilespmem:$0x19900] =	vst v63  }
0x53: {  	s16 =	simm.s32 $0x5900  }
0x54: {  	[tilespmem:s16], [sflag:$0x1] =	stream.indirect_vreg.gather [hbm4b:s7+s8], $0x80, v4, vm0, $0xb8;
	[tilespmem:$0x19900] =	vst v63  }
0x55: {  	s22 =	simm.s32 $0x6100  }
0x56: {  	[tilespmem:s22], [sflag:$0x1] =	stream.indirect_vreg.gather [hbm4b:s4+s8], $0x80, v3, vm0, $0xb8;
	[tilespmem:$0x19900] =	vst v63  }
0x57: {  	s23 =	simm.s32 $0x6900  }
0x58: {  	[tilespmem:s23], [sflag:$0x1] =	stream.indirect_vreg.gather [hbm4b:s6+s8], $0x80, v3, vm0, $0xb8;
	[tilespmem:$0x19900] =	vst v63  }
0x59: {  	s24 =	simm.s32 $0x7100  }
0x5a: {  	[tilespmem:s24], [sflag:$0x1] =	stream.indirect_vreg.gather [hbm4b:s7+s8], $0x80, v3, vm0, $0xb8;
	[tilespmem:$0x19900] =	vst v63  }
0x5b: {  	v3 =	vld [tilespmem:$0xCA0];
	_ =	sdelay $0x4  }
0x5c: {  	v58 =	vshrl.u32 v3, $0x3  }
0x5d: {  	v4 =	vmul.u32 $0x30, v58  }
0x5e: {  	v3 =	vand.u32 $0x7, v3  }
0x5f: {  	v3 =	vor.u32 v3, v4  }
0x60: {  	v4 =	vperm.xlane v3, v0;
	_ =	sdelay $0x1  }
0x61: {  	v4 =	vadd.s32 v1, v4;
	_ =	sdelay $0x3  }
0x62: {  	s29 =	simm.s32 $0x7900;
	v3 =	vperm.xlane v3, v2  }
0x63: {  	[tilespmem:s29], [sflag:$0x2] =	stream.indirect_vreg.gather [hbm4b:s4+s8], $0x80, v4, vm0, $0xb8;
	[tilespmem:$0x19900] =	vst v63  }
0x64: {  	s16 =	simm.s32 $0x8100;
	v3 =	vadd.s32 v1, v3  }
0x65: {  	[tilespmem:s16], [sflag:$0x2] =	stream.indirect_vreg.gather [hbm4b:s6+s8], $0x80, v4, vm0, $0xb8;
	[tilespmem:$0x19900] =	vst v63  }
0x66: {  	s22 =	simm.s32 $0x8900  }
0x67: {  	[tilespmem:s22], [sflag:$0x2] =	stream.indirect_vreg.gather [hbm4b:s7+s8], $0x80, v4, vm0, $0xb8;
	[tilespmem:$0x19900] =	vst v63  }
0x68: {  	s23 =	simm.s32 $0x9100  }
0x69: {  	[tilespmem:s23], [sflag:$0x2] =	stream.indirect_vreg.gather [hbm4b:s4+s8], $0x80, v3, vm0, $0xb8;
	[tilespmem:$0x19900] =	vst v63  }
0x6a: {  	s24 =	simm.s32 $0x9900  }
0x6b: {  	[tilespmem:s24], [sflag:$0x2] =	stream.indirect_vreg.gather [hbm4b:s6+s8], $0x80, v3, vm0, $0xb8;
	[tilespmem:$0x19900] =	vst v63  }
0x6c: {  	s29 =	simm.s32 $0xA100  }
0x6d: {  	[tilespmem:s29], [sflag:$0x2] =	stream.indirect_vreg.gather [hbm4b:s7+s8], $0x80, v3, vm0, $0xb8;
	[tilespmem:$0x19900] =	vst v63  }
0x6e: {  	v3 =	vld [tilespmem:$0xCB0];
	_ =	sdelay $0x4  }
0x6f: {  	v59 =	vshrl.u32 v3, $0x3  }
0x70: {  	v4 =	vmul.u32 $0x30, v59  }
0x71: {  	v3 =	vand.u32 $0x7, v3  }
0x72: {  	v3 =	vor.u32 v3, v4  }
0x73: {  	v4 =	vperm.xlane v3, v0;
	_ =	sdelay $0x1  }
0x74: {  	v4 =	vadd.s32 v1, v4;
	_ =	sdelay $0x3  }
0x75: {  	s16 =	simm.s32 $0xA900;
	v3 =	vperm.xlane v3, v2  }
0x76: {  	[tilespmem:s16], [sflag:$0x2] =	stream.indirect_vreg.gather [hbm4b:s4+s8], $0x80, v4, vm0, $0xb8;
	[tilespmem:$0x19900] =	vst v63  }
0x77: {  	s22 =	simm.s32 $0xB100;
	v3 =	vadd.s32 v1, v3  }
0x78: {  	[tilespmem:s22], [sflag:$0x2] =	stream.indirect_vreg.gather [hbm4b:s6+s8], $0x80, v4, vm0, $0xb8;
	[tilespmem:$0x19900] =	vst v63  }
0x79: {  	s23 =	simm.s32 $0xB900  }
0x7a: {  	[tilespmem:s23], [sflag:$0x2] =	stream.indirect_vreg.gather [hbm4b:s7+s8], $0x80, v4, vm0, $0xb8;
	[tilespmem:$0x19900] =	vst v63  }
0x7b: {  	s24 =	simm.s32 $0xC100  }
0x7c: {  	[tilespmem:s24], [sflag:$0x2] =	stream.indirect_vreg.gather [hbm4b:s4+s8], $0x80, v3, vm0, $0xb8;
	[tilespmem:$0x19900] =	vst v63  }
0x7d: {  	s29 =	simm.s32 $0xC900  }
0x7e: {  	[tilespmem:s29], [sflag:$0x2] =	stream.indirect_vreg.gather [hbm4b:s6+s8], $0x80, v3, vm0, $0xb8;
	[tilespmem:$0x19900] =	vst v63  }
0x7f: {  	s16 =	simm.s32 $0xD100  }
0x80: {  	[tilespmem:s16], [sflag:$0x2] =	stream.indirect_vreg.gather [hbm4b:s7+s8], $0x80, v3, vm0, $0xb8;
	[tilespmem:$0x19900] =	vst v63  }
0x81: {  	v3 =	vld [tilespmem:$0xCC0];
	_ =	sdelay $0x4  }
0x82: {  	v60 =	vshrl.u32 v3, $0x3  }
0x83: {  	v4 =	vmul.u32 $0x30, v60  }
0x84: {  	v3 =	vand.u32 $0x7, v3  }
0x85: {  	v3 =	vor.u32 v3, v4  }
0x86: {  	v4 =	vperm.xlane v3, v0;
	_ =	sdelay $0x1  }
0x87: {  	v4 =	vadd.s32 v1, v4;
	_ =	sdelay $0x3  }
0x88: {  	s22 =	simm.s32 $0xD900;
	v3 =	vperm.xlane v3, v2  }
0x89: {  	[tilespmem:s22], [sflag:$0x3] =	stream.indirect_vreg.gather [hbm4b:s4+s8], $0x80, v4, vm0, $0xb8;
	[tilespmem:$0x19900] =	vst v63  }
0x8a: {  	s23 =	simm.s32 $0xE100;
	v3 =	vadd.s32 v1, v3  }
0x8b: {  	[tilespmem:s23], [sflag:$0x3] =	stream.indirect_vreg.gather [hbm4b:s6+s8], $0x80, v4, vm0, $0xb8;
	[tilespmem:$0x19900] =	vst v63  }
0x8c: {  	s24 =	simm.s32 $0xE900  }
0x8d: {  	[tilespmem:s24], [sflag:$0x3] =	stream.indirect_vreg.gather [hbm4b:s7+s8], $0x80, v4, vm0, $0xb8;
	[tilespmem:$0x19900] =	vst v63  }
0x8e: {  	s29 =	simm.s32 $0xF100  }
0x8f: {  	[tilespmem:s29], [sflag:$0x3] =	stream.indirect_vreg.gather [hbm4b:s4+s8], $0x80, v3, vm0, $0xb8;
	[tilespmem:$0x19900] =	vst v63  }
0x90: {  	s16 =	simm.s32 $0xF900  }
0x91: {  	[tilespmem:s16], [sflag:$0x3] =	stream.indirect_vreg.gather [hbm4b:s6+s8], $0x80, v3, vm0, $0xb8;
	[tilespmem:$0x19900] =	vst v63  }
0x92: {  	s22 =	simm.s32 $0x10100  }
0x93: {  	[tilespmem:s22], [sflag:$0x3] =	stream.indirect_vreg.gather [hbm4b:s7+s8], $0x80, v3, vm0, $0xb8;
	[tilespmem:$0x19900] =	vst v63  }
0x94: {  	v3 =	vld [tilespmem:$0xCD0];
	_ =	sdelay $0x4  }
0x95: {  	v61 =	vshrl.u32 v3, $0x3  }
0x96: {  	v4 =	vmul.u32 $0x30, v61  }
0x97: {  	v3 =	vand.u32 $0x7, v3  }
0x98: {  	v3 =	vor.u32 v3, v4  }
0x99: {  	v4 =	vperm.xlane v3, v0;
	_ =	sdelay $0x1  }
0x9a: {  	v4 =	vadd.s32 v1, v4;
	_ =	sdelay $0x3  }
0x9b: {  	s23 =	simm.s32 $0x10900;
	v3 =	vperm.xlane v3, v2  }
0x9c: {  	[tilespmem:s23], [sflag:$0x3] =	stream.indirect_vreg.gather [hbm4b:s4+s8], $0x80, v4, vm0, $0xb8;
	[tilespmem:$0x19900] =	vst v63  }
0x9d: {  	s24 =	simm.s32 $0x11100;
	v3 =	vadd.s32 v1, v3  }
0x9e: {  	[tilespmem:s24], [sflag:$0x3] =	stream.indirect_vreg.gather [hbm4b:s6+s8], $0x80, v4, vm0, $0xb8;
	[tilespmem:$0x19900] =	vst v63  }
0x9f: {  	s29 =	simm.s32 $0x11900  }
0xa0: {  	[tilespmem:s29], [sflag:$0x3] =	stream.indirect_vreg.gather [hbm4b:s7+s8], $0x80, v4, vm0, $0xb8;
	[tilespmem:$0x19900] =	vst v63  }
0xa1: {  	s16 =	simm.s32 $0x12100  }
0xa2: {  	[tilespmem:s16], [sflag:$0x3] =	stream.indirect_vreg.gather [hbm4b:s4+s8], $0x80, v3, vm0, $0xb8;
	[tilespmem:$0x19900] =	vst v63  }
0xa3: {  	s22 =	simm.s32 $0x12900  }
0xa4: {  	[tilespmem:s22], [sflag:$0x3] =	stream.indirect_vreg.gather [hbm4b:s6+s8], $0x80, v3, vm0, $0xb8;
	[tilespmem:$0x19900] =	vst v63  }
0xa5: {  	s23 =	simm.s32 $0x13100  }
0xa6: {  	[tilespmem:s23], [sflag:$0x3] =	stream.indirect_vreg.gather [hbm4b:s7+s8], $0x80, v3, vm0, $0xb8;
	[tilespmem:$0x19900] =	vst v63  }
0xa7: {  	v3 =	vld [tilespmem:$0xCE0];
	_ =	sdelay $0x4  }
0xa8: {  	v62 =	vshrl.u32 v3, $0x3  }
0xa9: {  	v4 =	vmul.u32 $0x30, v62  }
0xaa: {  	v3 =	vand.u32 $0x7, v3  }
0xab: {  	v3 =	vor.u32 v3, v4  }
0xac: {  	v4 =	vperm.xlane v3, v0;
	_ =	sdelay $0x1  }
0xad: {  	v4 =	vadd.s32 v1, v4;
	_ =	sdelay $0x3  }
0xae: {  	v3 =	vperm.xlane v3, v2  }
0xaf: {  	[tilespmem:s21], [sflag:$0x4] =	stream.indirect_vreg.gather [hbm4b:s4+s8], $0x80, v4, vm0, $0xb8;
	[tilespmem:$0x19900] =	vst v63  }
0xb0: {  	s24 =	simm.s32 $0x14100;
	v3 =	vadd.s32 v1, v3  }
0xb1: {  	[tilespmem:s24], [sflag:$0x4] =	stream.indirect_vreg.gather [hbm4b:s6+s8], $0x80, v4, vm0, $0xb8;
	[tilespmem:$0x19900] =	vst v63  }
0xb2: {  	s29 =	simm.s32 $0x14900  }
0xb3: {  	[tilespmem:s29], [sflag:$0x4] =	stream.indirect_vreg.gather [hbm4b:s7+s8], $0x80, v4, vm0, $0xb8;
	[tilespmem:$0x19900] =	vst v63  }
0xb4: {  	_ = 	snop  }
0xb5: {  	[tilespmem:s25], [sflag:$0x4] =	stream.indirect_vreg.gather [hbm4b:s4+s8], $0x80, v3, vm0, $0xb8;
	[tilespmem:$0x19900] =	vst v63  }
0xb6: {  	_ = 	snop  }
0xb7: {  	[tilespmem:s26], [sflag:$0x4] =	stream.indirect_vreg.gather [hbm4b:s6+s8], $0x80, v3, vm0, $0xb8;
	[tilespmem:$0x19900] =	vst v63  }
0xb8: {  	_ = 	snop  }
0xb9: {  	[tilespmem:s28], [sflag:$0x4] =	stream.indirect_vreg.gather [hbm4b:s7+s8], $0x80, v3, vm0, $0xb8;
	[tilespmem:$0x19900] =	vst v63  }
0xba: {  	v3 =	vld [tilespmem:$0xCF0];
	_ =	sdelay $0x4  }
0xbb: {  	v63 =	vshrl.u32 v3, $0x3  }
0xbc: {  	v4 =	vmul.u32 $0x30, v63  }
0xbd: {  	v3 =	vand.u32 $0x7, v3  }
0xbe: {  	v3 =	vor.u32 v3, v4  }
0xbf: {  	v4 =	vperm.xlane v3, v0;
	_ =	sdelay $0x1  }
0xc0: {  	v4 =	vadd.s32 v1, v4;
	_ =	sdelay $0x3  }
0xc1: {  	v3 =	vperm.xlane v3, v2  }
0xc2: {  	[tilespmem:s30], [sflag:$0x4] =	stream.indirect_vreg.gather [hbm4b:s4+s8], $0x80, v4, vm0, $0xb8;
	[tilespmem:$0x19900] =	vst v63  }
0xc3: {  	v3 =	vadd.s32 v1, v3  }
0xc4: {  	[tilespmem:s31], [sflag:$0x4] =	stream.indirect_vreg.gather [hbm4b:s6+s8], $0x80, v4, vm0, $0xb8;
	[tilespmem:$0x19900] =	vst v63  }
0xc5: {  	_ = 	snop  }
0xc6: {  	[tilespmem:s1], [sflag:$0x4] =	stream.indirect_vreg.gather [hbm4b:s7+s8], $0x80, v4, vm0, $0xb8;
	[tilespmem:$0x19900] =	vst v63  }
0xc7: {  	_ = 	snop  }
0xc8: {  	[tilespmem:s0], [sflag:$0x4] =	stream.indirect_vreg.gather [hbm4b:s4+s8], $0x80, v3, vm0, $0xb8;
	[tilespmem:$0x19900] =	vst v63  }
0xc9: {  	_ = 	snop  }
0xca: {  	[tilespmem:s17], [sflag:$0x4] =	stream.indirect_vreg.gather [hbm4b:s6+s8], $0x80, v3, vm0, $0xb8;
	[tilespmem:$0x19900] =	vst v63  }
0xcb: {  	s10 =	simm.s32 $0xD70;
	s16 =	rddreg [dreg:$0x6]  }
0xcc: {  	[tilespmem:s18], [sflag:$0x4] =	stream.indirect_vreg.gather [hbm4b:s7+s8], $0x80, v3, vm0, $0xb8;
	[tilespmem:$0x19900] =	vst v63  }
.LBB2_4:
0xcd: {  	s29 =	sadd.s32 $0xFFFFFFA0, s16  }
0xce: {  	s22 =	sadd.s32 s8, s14;
	s29 =	sshrl.u32 s29, $0xA  }
0xcf: {  	s22 =	sand.u32 $0x70, s22;
	s29 =	smul.u32 $0xC0000, s29  }
0xd0: {  	s22 =	smul.u32 $0x1800, s22;
	_ =	sdelay $0x1  }
0xd1: {  	_ =	swait.ge [sflag:s19], $0x6000;
	s22 =	sadd.s32 s29, s22  }
0xd2: {  	s23 =	simm.s32 $0x1900;
	[sflag:s19] =	ssyncset.done $0x0;
	s22 =	sshrl.u32 s22, $0x3  }
0xd3: {  	p0 =	seq.s32 s8, $0x180;
	[sflag:s19] =	ssyncadd.s32 $0xFFFFA000;
	s22 =	sadd.s32 s2, s22  }
0xd4: {  	[hbm4b:s22+s3] =	stream.linear.scatter [tilespmem:s23], [sflag:$0x5], $0x6000, $0x38;
	[tilespmem:$0x19900] =	vst v63  }
0xd5: {  	s22 =	simm.s32 @!p0 $0x5  }
0xd6: {  	_ =	swait.ge @!p0 [sflag:s22], $0x6000  }
0xd7: {  	[sflag:s22] =	ssyncset.done @!p0 $0x0  }
0xd8: {  	[sflag:s22] =	ssyncadd.s32 @!p0 $0xFFFFA000  }
0xd9: {  	v3 =	vld @!p0 [tilespmem:s10+$0xFFFFFF90];
	_ =	sdelay $0x4  }
0xda: {  	v4 =	vshrl.u32 @!p0 v3, $0x3  }
0xdb: {  	v4 =	vmul.u32 @!p0 $0x30, v4  }
0xdc: {  	v5 =	vlaneseq.u32 @!p0;
	v3 =	vand.u32 @!p0 $0x7, v3  }
0xdd: {  	v6 =	vor.u32 @!p0 v3, v4;
	v4 =	vand.u32 @!p0 $0x7, v5;
	v3 =	vshrl.u32 @!p0 v5, $0x3  }
0xde: {  	v7 =	vperm.xlane @!p0 v6, v4;
	v3 =	vmul.u32 @!p0 $0x8, v3;
	_ =	sdelay $0x1  }
0xdf: {  	v7 =	vadd.s32 @!p0 v3, v7;
	_ =	sdelay $0x2  }
0xe0: {  	v5 =	vor.u32 @!p0 $0x8, v5  }
0xe1: {  	vm1 =	vmmov @!p0 $0xffff;
	s29 =	simm.s32 @!p0 $0x0;
	s22 =	simm.s32 @!p0 $0x1900;
	v6 =	vperm.xlane @!p0 v6, v5  }
0xe2: {  	[tilespmem:s22], [sflag:$0x1] =	stream.indirect_vreg.gather @!p0 [hbm4b:s4+s29], $0x80, v7, vm1, $0xb8;
	[tilespmem:$0x19900] =	vst v63  }
0xe3: {  	v6 =	vadd.s32 @!p0 v3, v6;
	s22 =	simm.s32 @!p0 $0x2100  }
0xe4: {  	[tilespmem:s22], [sflag:$0x1] =	stream.indirect_vreg.gather @!p0 [hbm4b:s6+s29], $0x80, v7, vm1, $0xb8;
	[tilespmem:$0x19900] =	vst v63  }
0xe5: {  	s22 =	simm.s32 @!p0 $0x2900  }
0xe6: {  	[tilespmem:s22], [sflag:$0x1] =	stream.indirect_vreg.gather @!p0 [hbm4b:s7+s29], $0x80, v7, vm1, $0xb8;
	[tilespmem:$0x19900] =	vst v63  }
0xe7: {  	s22 =	simm.s32 @!p0 $0x3100  }
0xe8: {  	[tilespmem:s22], [sflag:$0x1] =	stream.indirect_vreg.gather @!p0 [hbm4b:s4+s29], $0x80, v6, vm1, $0xb8;
	[tilespmem:$0x19900] =	vst v63  }
0xe9: {  	s22 =	simm.s32 @!p0 $0x3900  }
0xea: {  	[tilespmem:s22], [sflag:$0x1] =	stream.indirect_vreg.gather @!p0 [hbm4b:s6+s29], $0x80, v6, vm1, $0xb8;
	[tilespmem:$0x19900] =	vst v63  }
0xeb: {  	s22 =	simm.s32 @!p0 $0x4100  }
0xec: {  	[tilespmem:s22], [sflag:$0x1] =	stream.indirect_vreg.gather @!p0 [hbm4b:s7+s29], $0x80, v6, vm1, $0xb8;
	[tilespmem:$0x19900] =	vst v63  }
0xed: {  	v6 =	vld @!p0 [tilespmem:s10+$0xFFFFFFA0];
	_ =	sdelay $0x4  }
0xee: {  	v7 =	vshrl.u32 @!p0 v6, $0x3  }
0xef: {  	v7 =	vmul.u32 @!p0 $0x30, v7  }
0xf0: {  	v6 =	vand.u32 @!p0 $0x7, v6  }
0xf1: {  	v6 =	vor.u32 @!p0 v6, v7  }
0xf2: {  	v7 =	vperm.xlane @!p0 v6, v4;
	_ =	sdelay $0x1  }
0xf3: {  	v7 =	vadd.s32 @!p0 v3, v7;
	_ =	sdelay $0x3  }
0xf4: {  	s22 =	simm.s32 @!p0 $0x4900;
	v6 =	vperm.xlane @!p0 v6, v5  }
0xf5: {  	[tilespmem:s22], [sflag:$0x1] =	stream.indirect_vreg.gather @!p0 [hbm4b:s4+s29], $0x80, v7, vm1, $0xb8;
	[tilespmem:$0x19900] =	vst v63  }
0xf6: {  	v6 =	vadd.s32 @!p0 v3, v6;
	s22 =	simm.s32 @!p0 $0x5100  }
0xf7: {  	[tilespmem:s22], [sflag:$0x1] =	stream.indirect_vreg.gather @!p0 [hbm4b:s6+s29], $0x80, v7, vm1, $0xb8;
	[tilespmem:$0x19900] =	vst v63  }
0xf8: {  	s22 =	simm.s32 @!p0 $0x5900  }
0xf9: {  	[tilespmem:s22], [sflag:$0x1] =	stream.indirect_vreg.gather @!p0 [hbm4b:s7+s29], $0x80, v7, vm1, $0xb8;
	[tilespmem:$0x19900] =	vst v63  }
0xfa: {  	s22 =	simm.s32 @!p0 $0x6100  }
0xfb: {  	[tilespmem:s22], [sflag:$0x1] =	stream.indirect_vreg.gather @!p0 [hbm4b:s4+s29], $0x80, v6, vm1, $0xb8;
	[tilespmem:$0x19900] =	vst v63  }
0xfc: {  	s23 =	sadd.s32 $0xFFFFFFC0, s16;
	s22 =	simm.s32 @!p0 $0x6900  }
0xfd: {  	[tilespmem:s22], [sflag:$0x1] =	stream.indirect_vreg.gather @!p0 [hbm4b:s6+s29], $0x80, v6, vm1, $0xb8;
	[tilespmem:$0x19900] =	vst v63  }
0xfe: {  	s24 =	sadd.s32 s8, s13;
	s22 =	sshrl.u32 s23, $0xA  }
0xff: {  	s23 =	sand.u32 $0x74, s24;
	s22 =	smul.u32 $0xC0000, s22  }
0x100: {  	s24 =	simm.s32 @!p0 $0x7100;
	s23 =	smul.u32 $0x1800, s23  }
0x101: {  	[tilespmem:s24], [sflag:$0x1] =	stream.indirect_vreg.gather @!p0 [hbm4b:s7+s29], $0x80, v6, vm1, $0xb8;
	[tilespmem:$0x19900] =	vst v63  }
0x102: {  	_ =	swait.ge [sflag:s20], $0x6000;
	s22 =	sadd.s32 s22, s23  }
0x103: {  	[sflag:s20] =	ssyncset.done $0x0;
	s22 =	sshrl.u32 s22, $0x3  }
0x104: {  	s24 =	simm.s32 $0x7900;
	[sflag:s20] =	ssyncadd.s32 $0xFFFFA000;
	s22 =	sadd.s32 s2, s22  }
0x105: {  	[hbm4b:s22+s3] =	stream.linear.scatter [tilespmem:s24], [sflag:$0x6], $0x6000, $0x38;
	[tilespmem:$0x19900] =	vst v63  }
0x106: {  	s22 =	simm.s32 @!p0 $0x6  }
0x107: {  	_ =	swait.ge @!p0 [sflag:s22], $0x6000  }
0x108: {  	[sflag:s22] =	ssyncset.done @!p0 $0x0  }
0x109: {  	[sflag:s22] =	ssyncadd.s32 @!p0 $0xFFFFA000  }
0x10a: {  	v6 =	vld @!p0 [tilespmem:s10+$0xFFFFFFB0];
	_ =	sdelay $0x4  }
0x10b: {  	v7 =	vshrl.u32 @!p0 v6, $0x3  }
0x10c: {  	v7 =	vmul.u32 @!p0 $0x30, v7  }
0x10d: {  	v6 =	vand.u32 @!p0 $0x7, v6  }
0x10e: {  	v6 =	vor.u32 @!p0 v6, v7  }
0x10f: {  	v7 =	vperm.xlane @!p0 v6, v4;
	_ =	sdelay $0x1  }
0x110: {  	v7 =	vadd.s32 @!p0 v3, v7;
	_ =	sdelay $0x3  }
0x111: {  	s22 =	simm.s32 @!p0 $0x7900;
	v6 =	vperm.xlane @!p0 v6, v5  }
0x112: {  	[tilespmem:s22], [sflag:$0x2] =	stream.indirect_vreg.gather @!p0 [hbm4b:s4+s29], $0x80, v7, vm1, $0xb8;
	[tilespmem:$0x19900] =	vst v63  }
0x113: {  	v6 =	vadd.s32 @!p0 v3, v6;
	s22 =	simm.s32 @!p0 $0x8100  }
0x114: {  	[tilespmem:s22], [sflag:$0x2] =	stream.indirect_vreg.gather @!p0 [hbm4b:s6+s29], $0x80, v7, vm1, $0xb8;
	[tilespmem:$0x19900] =	vst v63  }
0x115: {  	s22 =	simm.s32 @!p0 $0x8900  }
0x116: {  	[tilespmem:s22], [sflag:$0x2] =	stream.indirect_vreg.gather @!p0 [hbm4b:s7+s29], $0x80, v7, vm1, $0xb8;
	[tilespmem:$0x19900] =	vst v63  }
0x117: {  	s22 =	simm.s32 @!p0 $0x9100  }
0x118: {  	[tilespmem:s22], [sflag:$0x2] =	stream.indirect_vreg.gather @!p0 [hbm4b:s4+s29], $0x80, v6, vm1, $0xb8;
	[tilespmem:$0x19900] =	vst v63  }
0x119: {  	s22 =	simm.s32 @!p0 $0x9900  }
0x11a: {  	[tilespmem:s22], [sflag:$0x2] =	stream.indirect_vreg.gather @!p0 [hbm4b:s6+s29], $0x80, v6, vm1, $0xb8;
	[tilespmem:$0x19900] =	vst v63  }
0x11b: {  	s22 =	simm.s32 @!p0 $0xA100  }
0x11c: {  	[tilespmem:s22], [sflag:$0x2] =	stream.indirect_vreg.gather @!p0 [hbm4b:s7+s29], $0x80, v6, vm1, $0xb8;
	[tilespmem:$0x19900] =	vst v63  }
0x11d: {  	v6 =	vld @!p0 [tilespmem:s10+$0xFFFFFFC0];
	_ =	sdelay $0x4  }
0x11e: {  	v7 =	vshrl.u32 @!p0 v6, $0x3  }
0x11f: {  	v7 =	vmul.u32 @!p0 $0x30, v7  }
0x120: {  	v6 =	vand.u32 @!p0 $0x7, v6  }
0x121: {  	v6 =	vor.u32 @!p0 v6, v7  }
0x122: {  	v7 =	vperm.xlane @!p0 v6, v4;
	_ =	sdelay $0x1  }
0x123: {  	v7 =	vadd.s32 @!p0 v3, v7;
	_ =	sdelay $0x3  }
0x124: {  	s22 =	simm.s32 @!p0 $0xA900;
	v6 =	vperm.xlane @!p0 v6, v5  }
0x125: {  	[tilespmem:s22], [sflag:$0x2] =	stream.indirect_vreg.gather @!p0 [hbm4b:s4+s29], $0x80, v7, vm1, $0xb8;
	[tilespmem:$0x19900] =	vst v63  }
0x126: {  	v6 =	vadd.s32 @!p0 v3, v6;
	s22 =	simm.s32 @!p0 $0xB100  }
0x127: {  	[tilespmem:s22], [sflag:$0x2] =	stream.indirect_vreg.gather @!p0 [hbm4b:s6+s29], $0x80, v7, vm1, $0xb8;
	[tilespmem:$0x19900] =	vst v63  }
0x128: {  	s22 =	simm.s32 @!p0 $0xB900  }
0x129: {  	[tilespmem:s22], [sflag:$0x2] =	stream.indirect_vreg.gather @!p0 [hbm4b:s7+s29], $0x80, v7, vm1, $0xb8;
	[tilespmem:$0x19900] =	vst v63  }
0x12a: {  	s22 =	simm.s32 @!p0 $0xC100  }
0x12b: {  	[tilespmem:s22], [sflag:$0x2] =	stream.indirect_vreg.gather @!p0 [hbm4b:s4+s29], $0x80, v6, vm1, $0xb8;
	[tilespmem:$0x19900] =	vst v63  }
0x12c: {  	s23 =	sadd.s32 $0xFFFFFFE0, s16;
	s22 =	simm.s32 @!p0 $0xC900  }
0x12d: {  	[tilespmem:s22], [sflag:$0x2] =	stream.indirect_vreg.gather @!p0 [hbm4b:s6+s29], $0x80, v6, vm1, $0xb8;
	[tilespmem:$0x19900] =	vst v63  }
0x12e: {  	s24 =	sadd.s32 s8, s12;
	s22 =	sshrl.u32 s23, $0xA  }
0x12f: {  	s23 =	sand.u32 $0x78, s24;
	s22 =	smul.u32 $0xC0000, s22  }
0x130: {  	s24 =	simm.s32 @!p0 $0xD100;
	s23 =	smul.u32 $0x1800, s23  }
0x131: {  	[tilespmem:s24], [sflag:$0x2] =	stream.indirect_vreg.gather @!p0 [hbm4b:s7+s29], $0x80, v6, vm1, $0xb8;
	[tilespmem:$0x19900] =	vst v63  }
0x132: {  	_ =	swait.ge [sflag:s5], $0x6000;
	s22 =	sadd.s32 s22, s23  }
0x133: {  	[sflag:s5] =	ssyncset.done $0x0;
	s22 =	sshrl.u32 s22, $0x3  }
0x134: {  	s24 =	simm.s32 $0xD900;
	[sflag:s5] =	ssyncadd.s32 $0xFFFFA000;
	s22 =	sadd.s32 s2, s22  }
0x135: {  	[hbm4b:s22+s3] =	stream.linear.scatter [tilespmem:s24], [sflag:$0x7], $0x6000, $0x38;
	[tilespmem:$0x19900] =	vst v63  }
0x136: {  	s22 =	simm.s32 @!p0 $0x7  }
0x137: {  	_ =	swait.ge @!p0 [sflag:s22], $0x6000  }
0x138: {  	[sflag:s22] =	ssyncset.done @!p0 $0x0  }
0x139: {  	[sflag:s22] =	ssyncadd.s32 @!p0 $0xFFFFA000  }
0x13a: {  	v6 =	vld @!p0 [tilespmem:s10+$0xFFFFFFD0];
	_ =	sdelay $0x4  }
0x13b: {  	v7 =	vshrl.u32 @!p0 v6, $0x3  }
0x13c: {  	v7 =	vmul.u32 @!p0 $0x30, v7  }
0x13d: {  	v6 =	vand.u32 @!p0 $0x7, v6  }
0x13e: {  	v6 =	vor.u32 @!p0 v6, v7  }
0x13f: {  	v7 =	vperm.xlane @!p0 v6, v4;
	_ =	sdelay $0x1  }
0x140: {  	v7 =	vadd.s32 @!p0 v3, v7;
	_ =	sdelay $0x3  }
0x141: {  	s22 =	simm.s32 @!p0 $0xD900;
	v6 =	vperm.xlane @!p0 v6, v5  }
0x142: {  	[tilespmem:s22], [sflag:$0x3] =	stream.indirect_vreg.gather @!p0 [hbm4b:s4+s29], $0x80, v7, vm1, $0xb8;
	[tilespmem:$0x19900] =	vst v63  }
0x143: {  	v6 =	vadd.s32 @!p0 v3, v6;
	s22 =	simm.s32 @!p0 $0xE100  }
0x144: {  	[tilespmem:s22], [sflag:$0x3] =	stream.indirect_vreg.gather @!p0 [hbm4b:s6+s29], $0x80, v7, vm1, $0xb8;
	[tilespmem:$0x19900] =	vst v63  }
0x145: {  	s22 =	simm.s32 @!p0 $0xE900  }
0x146: {  	[tilespmem:s22], [sflag:$0x3] =	stream.indirect_vreg.gather @!p0 [hbm4b:s7+s29], $0x80, v7, vm1, $0xb8;
	[tilespmem:$0x19900] =	vst v63  }
0x147: {  	s22 =	simm.s32 @!p0 $0xF100  }
0x148: {  	[tilespmem:s22], [sflag:$0x3] =	stream.indirect_vreg.gather @!p0 [hbm4b:s4+s29], $0x80, v6, vm1, $0xb8;
	[tilespmem:$0x19900] =	vst v63  }
0x149: {  	s22 =	simm.s32 @!p0 $0xF900  }
0x14a: {  	[tilespmem:s22], [sflag:$0x3] =	stream.indirect_vreg.gather @!p0 [hbm4b:s6+s29], $0x80, v6, vm1, $0xb8;
	[tilespmem:$0x19900] =	vst v63  }
0x14b: {  	s22 =	simm.s32 @!p0 $0x10100  }
0x14c: {  	[tilespmem:s22], [sflag:$0x3] =	stream.indirect_vreg.gather @!p0 [hbm4b:s7+s29], $0x80, v6, vm1, $0xb8;
	[tilespmem:$0x19900] =	vst v63  }
0x14d: {  	v6 =	vld @!p0 [tilespmem:s10+$0xFFFFFFE0];
	_ =	sdelay $0x4  }
0x14e: {  	v7 =	vshrl.u32 @!p0 v6, $0x3  }
0x14f: {  	v7 =	vmul.u32 @!p0 $0x30, v7  }
0x150: {  	v6 =	vand.u32 @!p0 $0x7, v6  }
0x151: {  	v6 =	vor.u32 @!p0 v6, v7  }
0x152: {  	v4 =	vperm.xlane @!p0 v6, v4;
	_ =	sdelay $0x1  }
0x153: {  	v4 =	vadd.s32 @!p0 v3, v4;
	_ =	sdelay $0x3  }
0x154: {  	s22 =	simm.s32 @!p0 $0x10900;
	v5 =	vperm.xlane @!p0 v6, v5  }
0x155: {  	[tilespmem:s22], [sflag:$0x3] =	stream.indirect_vreg.gather @!p0 [hbm4b:s4+s29], $0x80, v4, vm1, $0xb8;
	[tilespmem:$0x19900] =	vst v63  }
0x156: {  	v3 =	vadd.s32 @!p0 v3, v5;
	s22 =	simm.s32 @!p0 $0x11100  }
0x157: {  	[tilespmem:s22], [sflag:$0x3] =	stream.indirect_vreg.gather @!p0 [hbm4b:s6+s29], $0x80, v4, vm1, $0xb8;
	[tilespmem:$0x19900] =	vst v63  }
0x158: {  	s22 =	simm.s32 @!p0 $0x11900  }
0x159: {  	[tilespmem:s22], [sflag:$0x3] =	stream.indirect_vreg.gather @!p0 [hbm4b:s7+s29], $0x80, v4, vm1, $0xb8;
	[tilespmem:$0x19900] =	vst v63  }
0x15a: {  	s22 =	simm.s32 @!p0 $0x12100  }
0x15b: {  	[tilespmem:s22], [sflag:$0x3] =	stream.indirect_vreg.gather @!p0 [hbm4b:s4+s29], $0x80, v3, vm1, $0xb8;
	[tilespmem:$0x19900] =	vst v63  }
0x15c: {  	s23 =	sshrl.u32 s16, $0xA;
	s24 =	sadd.s32 s8, s11;
	s22 =	simm.s32 @!p0 $0x12900  }
0x15d: {  	[tilespmem:s22], [sflag:$0x3] =	stream.indirect_vreg.gather @!p0 [hbm4b:s6+s29], $0x80, v3, vm1, $0xb8;
	[tilespmem:$0x19900] =	vst v63  }
0x15e: {  	s22 =	smul.u32 $0xC0000, s23;
	s23 =	sand.u32 $0x7C, s24  }
0x15f: {  	s24 =	simm.s32 @!p0 $0x13100;
	s23 =	smul.u32 $0x1800, s23  }
0x160: {  	[tilespmem:s24], [sflag:$0x3] =	stream.indirect_vreg.gather @!p0 [hbm4b:s7+s29], $0x80, v3, vm1, $0xb8;
	[tilespmem:$0x19900] =	vst v63  }
.Ltmp3:
0x161: {  	_ = 	snop;
	(pc) =	sbr.rel @p0 .LBB2_6-.Ltmp3, $4  }
0x162: {  	_ =	swait.ge [sflag:s9], $0x6000;
	s22 =	sadd.s32 s22, s23  }
0x163: {  	[sflag:s9] =	ssyncset.done $0x0;
	s22 =	sshrl.u32 s22, $0x3  }
0x164: {  	[sflag:s9] =	ssyncadd.s32 $0xFFFFA000;
	s22 =	sadd.s32 s2, s22  }
0x165: {  	[hbm4b:s22+s3] =	stream.linear.scatter [tilespmem:s21], [sflag:$0x8], $0x6000, $0x38;
	[tilespmem:$0x19900] =	vst v63  }
0x166: {  	_ =	swait.ge [sflag:s15], $0x6000  }
0x167: {  	[sflag:s15] =	ssyncset.done $0x0  }
0x168: {  	[sflag:s15] =	ssyncadd.s32 $0xFFFFA000  }
0x169: {  	v3 =	vld [tilespmem:s10+$0xFFFFFFF0];
	_ =	sdelay $0x4  }
0x16a: {  	v4 =	vshrl.u32 v3, $0x3  }
0x16b: {  	v4 =	vmul.u32 $0x30, v4  }
0x16c: {  	v3 =	vand.u32 $0x7, v3  }
0x16d: {  	v3 =	vor.u32 v3, v4  }
0x16e: {  	v4 =	vperm.xlane v3, v0;
	_ =	sdelay $0x1  }
0x16f: {  	v4 =	vadd.s32 v1, v4;
	_ =	sdelay $0x3  }
0x170: {  	v3 =	vperm.xlane v3, v2  }
0x171: {  	[tilespmem:s21], [sflag:$0x4] =	stream.indirect_vreg.gather [hbm4b:s4+s3], $0x80, v4, vm0, $0xb8;
	[tilespmem:$0x19900] =	vst v63  }
0x172: {  	s22 =	simm.s32 $0x14100;
	v3 =	vadd.s32 v1, v3  }
0x173: {  	[tilespmem:s22], [sflag:$0x4] =	stream.indirect_vreg.gather [hbm4b:s6+s3], $0x80, v4, vm0, $0xb8;
	[tilespmem:$0x19900] =	vst v63  }
0x174: {  	s29 =	simm.s32 $0x14900  }
0x175: {  	[tilespmem:s29], [sflag:$0x4] =	stream.indirect_vreg.gather [hbm4b:s7+s3], $0x80, v4, vm0, $0xb8;
	[tilespmem:$0x19900] =	vst v63  }
0x176: {  	_ = 	snop  }
0x177: {  	[tilespmem:s25], [sflag:$0x4] =	stream.indirect_vreg.gather [hbm4b:s4+s3], $0x80, v3, vm0, $0xb8;
	[tilespmem:$0x19900] =	vst v63  }
0x178: {  	_ = 	snop  }
0x179: {  	[tilespmem:s26], [sflag:$0x4] =	stream.indirect_vreg.gather [hbm4b:s6+s3], $0x80, v3, vm0, $0xb8;
	[tilespmem:$0x19900] =	vst v63  }
0x17a: {  	_ = 	snop  }
0x17b: {  	[tilespmem:s28], [sflag:$0x4] =	stream.indirect_vreg.gather [hbm4b:s7+s3], $0x80, v3, vm0, $0xb8;
	[tilespmem:$0x19900] =	vst v63  }
0x17c: {  	v3 =	vld [tilespmem:s10+$0x0];
	_ =	sdelay $0x4  }
0x17d: {  	v63 =	vshrl.u32 v3, $0x3  }
0x17e: {  	v4 =	vmul.u32 $0x30, v63  }
0x17f: {  	v3 =	vand.u32 $0x7, v3  }
0x180: {  	v3 =	vor.u32 v3, v4  }
0x181: {  	v4 =	vperm.xlane v3, v0;
	_ =	sdelay $0x1  }
0x182: {  	v4 =	vadd.s32 v1, v4;
	_ =	sdelay $0x3  }
0x183: {  	v3 =	vperm.xlane v3, v2  }
0x184: {  	[tilespmem:s30], [sflag:$0x4] =	stream.indirect_vreg.gather [hbm4b:s4+s3], $0x80, v4, vm0, $0xb8;
	[tilespmem:$0x19900] =	vst v63  }
0x185: {  	v3 =	vadd.s32 v1, v3  }
0x186: {  	[tilespmem:s31], [sflag:$0x4] =	stream.indirect_vreg.gather [hbm4b:s6+s3], $0x80, v4, vm0, $0xb8;
	[tilespmem:$0x19900] =	vst v63  }
0x187: {  	_ = 	snop  }
0x188: {  	[tilespmem:s1], [sflag:$0x4] =	stream.indirect_vreg.gather [hbm4b:s7+s3], $0x80, v4, vm0, $0xb8;
	[tilespmem:$0x19900] =	vst v63  }
0x189: {  	_ = 	snop  }
0x18a: {  	[tilespmem:s0], [sflag:$0x4] =	stream.indirect_vreg.gather [hbm4b:s4+s3], $0x80, v3, vm0, $0xb8;
	[tilespmem:$0x19900] =	vst v63  }
.Ltmp4:
0x18b: {  	_ = 	snop;
	(pc) =	sbr.rel .LBB2_4-.Ltmp4, $4  }
0x18c: {  	_ = 	snop  }
0x18d: {  	[tilespmem:s17], [sflag:$0x4] =	stream.indirect_vreg.gather [hbm4b:s6+s3], $0x80, v3, vm0, $0xb8;
	[tilespmem:$0x19900] =	vst v63  }
0x18e: {  	s8 =	sadd.s32 $0x10, s8;
	s16 =	sadd.s32 $0x80, s16;
	s10 =	sadd.s32 $0x80, s10  }
0x18f: {  	[tilespmem:s18], [sflag:$0x4] =	stream.indirect_vreg.gather [hbm4b:s7+s3], $0x80, v3, vm0, $0xb8;
	[tilespmem:$0x19900] =	vst v63  }
.LBB2_7:
0x190: {  	_ =	sfence.sel $0x180000  }
0x191: {  	[bflag:$0x0] =	sbarrier.arrive $0xFFFF  }
0x192: {  	_ =	strace $0x90000047  }
0x193: {  	s0 =	stileid.u32;
	[bflag:$0x2] =	sbarrier.arrive $0xFFFF  }
0x194: {  	p0 =	sne.s32 s0, $0x0;
	s0 =	rddreg [dreg:$0x2]  }
0x195: {  	s0 =	sadd.s32 @!p0 $0x100000, s0  }
0x196: {  	[sflag:s0] =	ssyncadd.tile.s32 @!p0 $0x1;
	_ =	shalt  }
.Lfunc_end2:
_tile_overlayer_lowered:
.L_overlay_start_2:
0x197: {  	(tag) =	ssettag $0x2  }
0x198: {  	s0 =	rddreg [dreg:$0x0];
	s2 =	stileid.u32  }
0x199: {  	s1 =	rddreg [dreg:$0x1];
	p0 =	sne.s32 s2, $0x0  }
0x19a: {  	s3 =	rddreg [dreg:$0x2];
	[bflag:$0x3] =	sbarrier.arrive $0xFFFF;
	s2 =	simm.s32 @!p0 $0x1C09  }
0x19b: {  	[timem:s3], [sflag:s2] =	dma.local @!p0 [hbm:s0], s1  }
0x19c: {  	s0 =	simm.s32 @!p0 $0x9  }
0x19d: {  	_ =	swait.ge @!p0 [sflag:s0], s1  }
0x19e: {  	s1 =	ssub.s32 @!p0 $0x0, s1;
	[sflag:s0] =	ssyncset.done @!p0 $0x0  }
0x19f: {  	[sflag:s0] =	ssyncadd.s32 @!p0 s1  }
0x1a0: {  	[bflag:$0x3] =	sbarrier.arrive $0xFFFF  }
0x1a1: {  	_ =	shalt  }

</sc_bundles>
